<compile_context>
chip_gen: v7x
topology: tpu7x:2x2x1
jax: 0.10.2.dev20260603
libtpu: 0.0.44.dev20260713+nightly
codegen_flags: <defaults>
</compile_context>

<pallas_src>
import functools

import jax
import jax.numpy as jnp
from jax import lax
from jax.experimental import pallas as pl
from jax.experimental.pallas import tpu as pltpu
from jax.experimental.pallas import tpu_sc as plsc

N_DATA = 16384
N_SUP = 32768
DB = 2048
CH = 128
SB = 2048

SC_CORES = 2
SC_SUBCORES = 16
ROWS_PER_TILE = 8
LANES = 128


def _argmin_body(daug_ref, saugt_ref, out_ref, rmin_s, ridx_s):
    j = pl.program_id(1)

    @pl.when(j == 0)
    def _init():
        rmin_s[...] = jnp.full((SB,), jnp.inf, jnp.float32)
        ridx_s[...] = jnp.zeros((SB,), jnp.int32)

    saugt = saugt_ref[...]
    rowsf = lax.broadcasted_iota(jnp.int32, (CH, SB), 0).astype(jnp.float32)
    ms, cands = [], []
    for c in range(DB // CH):
        t = jnp.dot(daug_ref[pl.ds(c * CH, CH), :], saugt,
                    preferred_element_type=jnp.float32,
                    precision=jax.lax.Precision.HIGHEST)
        mc = jnp.min(t, axis=0)
        cc = jnp.min(jnp.where(t == mc[None, :], rowsf, jnp.float32(1e9)),
                     axis=0) + jnp.float32(c * CH)
        ms.append(mc)
        cands.append(cc)
    m = ms[0]
    cand = cands[0]
    for mc, cc in zip(ms[1:], cands[1:]):
        cand = jnp.where(mc < m, cc, cand)
        m = jnp.minimum(m, mc)
    candi = cand.astype(jnp.int32) + j * DB
    prev = rmin_s[...]
    upd = m < prev
    rmin_s[...] = jnp.where(upd, m, prev)
    ridx_s[...] = jnp.where(upd, candi, ridx_s[...])

    @pl.when(j == pl.num_programs(1) - 1)
    def _emit():
        out_ref[...] = ridx_s[...]


def _tc_nearest(daug, saugt):
    return pl.pallas_call(
        _argmin_body,
        grid=(N_SUP // SB, N_DATA // DB),
        in_specs=[
            pl.BlockSpec((DB, 8), lambda i, j: (j, 0)),
            pl.BlockSpec((8, SB), lambda i, j: (0, i)),
        ],
        out_specs=pl.BlockSpec((SB,), lambda i, j: (i,)),
        out_shape=jax.ShapeDtypeStruct((N_SUP,), jnp.int32),
        scratch_shapes=[
            pltpu.VMEM((SB,), jnp.float32),
            pltpu.VMEM((SB,), jnp.int32),
        ],
        compiler_params=pltpu.CompilerParams(
            dimension_semantics=("parallel", "arbitrary")),
    )(daug, saugt)


def _sc_hist(nearest3, zeros_init):
    mesh = plsc.VectorSubcoreMesh(core_axis_name="c", subcore_axis_name="s")

    @functools.partial(
        pl.kernel,
        mesh=mesh,
        out_type=jax.ShapeDtypeStruct((SC_CORES, N_DATA), jnp.float32),
        scratch_types=[
            pltpu.VMEM((ROWS_PER_TILE, LANES), jnp.int32),
            pltpu.VMEM((LANES,), jnp.float32),
            pltpu.VMEM_SHARED((N_DATA,), jnp.float32),
        ],
    )
    def hist(near_hbm, z_hbm, out_hbm, idx_v, val_v, shared):
        c = lax.axis_index("c")
        s = lax.axis_index("s")
        wid = c * SC_SUBCORES + s

        @pl.when(s == 0)
        def _zero():
            pltpu.sync_copy(z_hbm, shared)

        for i in range(LANES // 16):
            val_v[pl.ds(i * 16, 16)] = jnp.full((16,), 1.0, jnp.float32)
        pltpu.sync_copy(near_hbm.at[wid], idx_v)
        plsc.subcore_barrier()
        for r in range(ROWS_PER_TILE):
            pltpu.sync_copy(val_v, shared.at[idx_v.at[r]], add=True)
        plsc.subcore_barrier()

        @pl.when(s == 0)
        def _emit():
            pltpu.sync_copy(shared, out_hbm.at[c])

    return hist(nearest3, zeros_init)


def kernel(data_points, grid):
    dp = data_points.astype(jnp.float32)
    g = grid.astype(jnp.float32)
    dsq = jnp.sum(dp * dp, axis=1, keepdims=True)
    daug = jnp.concatenate(
        [dp, dsq, jnp.zeros((N_DATA, 4), jnp.float32)], axis=1)
    saugt = jnp.concatenate(
        [(-2.0 * g).T,
         jnp.ones((1, N_SUP), jnp.float32),
         jnp.zeros((4, N_SUP), jnp.float32)], axis=0)
    nearest = _tc_nearest(daug, saugt)
    h = _sc_hist(
        nearest.reshape(SC_CORES * SC_SUBCORES, ROWS_PER_TILE, LANES),
        jnp.zeros((N_DATA,), jnp.float32))
    return (h[0] + h[1]) * jnp.float32(1.0 / N_SUP)

# --- scband reference (transcript-rebuilt; emitter-appended) ---
"""Pipeline reference for scband-mcuniform-sampling-distribution-approximation-68504728371336 (READ-ONLY COPY).

The authoritative reference and input builder live on the scoring server;
editing this copy changes nothing except your own understanding.
"""

import jax, jax.numpy as jnp
import numpy as np

BLOCK = 2048


def _assign_counts(support_block, data_points, n_data):
    # squared euclidean distance from each support point to every data point
    d2 = jnp.sum((support_block[:, None, :] - data_points[None, :, :]) ** 2, axis=-1)
    nearest = jnp.argmin(d2, axis=1)
    return jnp.bincount(nearest, length=n_data)


def MC_uniform_sampling_distribution_approximation(data_points, support_points):
    # Monte-Carlo estimate of the volume of each data point's Voronoi cell:
    # fraction of uniform support points whose nearest neighbour is that data point.
    n_data = data_points.shape[0]
    counts = _assign_counts(support_points, data_points, n_data)
    return counts.astype(data_points.dtype) / support_points.shape[0]


def blockwise_mcudsa(data_points, support_points, block_size=BLOCK):
    # Same computation as MC_uniform_sampling_distribution_approximation, but the
    # [K, n_data] distance matrix is materialized block-by-block over the support
    # points to bound peak memory (used when grid dimension > 2).
    n_data = data_points.shape[0]
    K = support_points.shape[0]
    n_blocks = K // block_size
    main = support_points[: n_blocks * block_size].reshape(n_blocks, block_size, -1)

    def body(carry, blk):
        return (carry + _assign_counts(blk, data_points, n_data)).astype(carry.dtype), None

    counts, _ = jax.lax.scan(body, jnp.zeros((n_data,), dtype=jnp.int32), main)
    rem = support_points[n_blocks * block_size:]
    if rem.shape[0] > 0:
        counts = counts + _assign_counts(rem, data_points, n_data)
    return counts.astype(data_points.dtype) / K


def setup_inputs(seed: int = 0) -> dict:
    key = jax.random.key(seed)
    k1, k2 = jax.random.split(key)
    data_points = jax.random.normal(k1, (16384, 3), dtype=jnp.float32)
    # init arg: uniform MC support grid, dim 3 (> 2 -> blockwise branch)
    grid = jax.random.uniform(k2, (32768, 3), dtype=jnp.float32, minval=-3.0, maxval=3.0)
    return {"data_points": data_points, "grid": grid}


def reference(data_points, grid):
    if grid.shape[1] > 2:
        return blockwise_mcudsa(data_points=data_points, support_points=grid)
    else:
        return MC_uniform_sampling_distribution_approximation(data_points=data_points, support_points=grid)

if __name__ == "__main__":
    import jax
    _d = setup_inputs()
    print(jax.jit(kernel)(*tuple(_d.values())))

</pallas_src>

<mosaic_0001>
#map = affine_map<(d0, d1) -> (0, 0, 0)>
#map1 = affine_map<(d0, d1) -> (0)>
#map2 = affine_map<(d0, d1) -> (0, 0)>
module attributes {stable_mosaic.version = 14 : i64} {
  func.func @hist(%arg0: i32, %arg1: i32, %arg2: memref<32x8x128xi32, #tpu.memory_space<hbm>>, %arg3: memref<16384xf32, #tpu.memory_space<hbm>>, %arg4: memref<2x16384xf32, #tpu.memory_space<hbm>>, %arg5: memref<8x128xi32, #tpu.memory_space<vmem>>, %arg6: memref<128xf32, #tpu.memory_space<vmem>>, %arg7: memref<16384xf32, #tpu.memory_space<vmem_shared>>) attributes {dimension_semantics = [#tpu.dimension_semantics<core_parallel>, #tpu.dimension_semantics<subcore_parallel>], iteration_bounds = array<i64: 2, 16>, scalar_prefetch = 0 : i64, scratch_operands = 3 : i64, tpu.core_type = #tpu.core_type<sc_vector_subcore>, window_params = [{transform_indices = #map}, {transform_indices = #map1}, {transform_indices = #map2}]} {
    %mul3A = arith.constant 16 : i32
    %mul3A_0 = arith.muli %arg0, %mul3A : i32
    %add3A = arith.addi %mul3A_0, %arg1 : i32
    %eq3A = arith.constant 0 : i32
    %eq3A_1 = arith.cmpi eq, %arg1, %eq3A : i32
    %convert_element_type3A = arith.extui %eq3A_1 : i1 to i32
    %cond3A = arith.constant 0 : i32
    %cond3A_2 = arith.cmpi ne, %convert_element_type3A, %cond3A : i32
    scf.if %cond3A_2 {
      "tpu.region"() ({
        %run_scoped3A_62 = tpu.sem_alloc : memref<!tpu.dma_semaphore, #tpu.memory_space<semaphore_mem>>
        tpu.enqueue_dma source(%arg3 : memref<16384xf32, #tpu.memory_space<hbm>>) target(%arg7 : memref<16384xf32, #tpu.memory_space<vmem_shared>>) target_semaphore(%run_scoped3A_62 : memref<!tpu.dma_semaphore, #tpu.memory_space<semaphore_mem>>)
        tpu.wait_dma2 semaphore(%run_scoped3A_62 : memref<!tpu.dma_semaphore, #tpu.memory_space<semaphore_mem>>) src(%arg3 : memref<16384xf32, #tpu.memory_space<hbm>>) dst(%arg7 : memref<16384xf32, #tpu.memory_space<vmem_shared>>)
        tpu.yield
      }) : () -> ()
    } else {
    }
    %broadcast_in_dim3A = arith.constant 1.000000e+00 : f32
    %broadcast_in_dim3A_3 = vector.broadcast %broadcast_in_dim3A : f32 to vector<16xf32>
    %swap3A = arith.constant 0 : index
    %swap3A_4 = tpu.vector_load %arg6[%swap3A] {strides = array<i32>} : memref<128xf32, #tpu.memory_space<vmem>>, vector<16xf32>,
    %swap3A_5 = vector.shape_cast %swap3A_4 : vector<16xf32> to vector<16xf32>
    %swap3A_6 = vector.shape_cast %broadcast_in_dim3A_3 : vector<16xf32> to vector<16xf32>
    tpu.vector_store %arg6[%swap3A], %swap3A_6 {strides = array<i32>} : memref<128xf32, #tpu.memory_space<vmem>>, vector<16xf32>,
    %broadcast_in_dim3A_7 = arith.constant 1.000000e+00 : f32
    %broadcast_in_dim3A_8 = vector.broadcast %broadcast_in_dim3A_7 : f32 to vector<16xf32>
    %swap3A_9 = arith.constant 16 : index
    %swap3A_10 = tpu.vector_load %arg6[%swap3A_9] {strides = array<i32>} : memref<128xf32, #tpu.memory_space<vmem>>, vector<16xf32>,
    %swap3A_11 = vector.shape_cast %swap3A_10 : vector<16xf32> to vector<16xf32>
    %swap3A_12 = vector.shape_cast %broadcast_in_dim3A_8 : vector<16xf32> to vector<16xf32>
    tpu.vector_store %arg6[%swap3A_9], %swap3A_12 {strides = array<i32>} : memref<128xf32, #tpu.memory_space<vmem>>, vector<16xf32>,
    %broadcast_in_dim3A_13 = arith.constant 1.000000e+00 : f32
    %broadcast_in_dim3A_14 = vector.broadcast %broadcast_in_dim3A_13 : f32 to vector<16xf32>
    %swap3A_15 = arith.constant 32 : index
    %swap3A_16 = tpu.vector_load %arg6[%swap3A_15] {strides = array<i32>} : memref<128xf32, #tpu.memory_space<vmem>>, vector<16xf32>,
    %swap3A_17 = vector.shape_cast %swap3A_16 : vector<16xf32> to vector<16xf32>
    %swap3A_18 = vector.shape_cast %broadcast_in_dim3A_14 : vector<16xf32> to vector<16xf32>
    tpu.vector_store %arg6[%swap3A_15], %swap3A_18 {strides = array<i32>} : memref<128xf32, #tpu.memory_space<vmem>>, vector<16xf32>,
    %broadcast_in_dim3A_19 = arith.constant 1.000000e+00 : f32
    %broadcast_in_dim3A_20 = vector.broadcast %broadcast_in_dim3A_19 : f32 to vector<16xf32>
    %swap3A_21 = arith.constant 48 : index
    %swap3A_22 = tpu.vector_load %arg6[%swap3A_21] {strides = array<i32>} : memref<128xf32, #tpu.memory_space<vmem>>, vector<16xf32>,
    %swap3A_23 = vector.shape_cast %swap3A_22 : vector<16xf32> to vector<16xf32>
    %swap3A_24 = vector.shape_cast %broadcast_in_dim3A_20 : vector<16xf32> to vector<16xf32>
    tpu.vector_store %arg6[%swap3A_21], %swap3A_24 {strides = array<i32>} : memref<128xf32, #tpu.memory_space<vmem>>, vector<16xf32>,
    %broadcast_in_dim3A_25 = arith.constant 1.000000e+00 : f32
    %broadcast_in_dim3A_26 = vector.broadcast %broadcast_in_dim3A_25 : f32 to vector<16xf32>
    %swap3A_27 = arith.constant 64 : index
    %swap3A_28 = tpu.vector_load %arg6[%swap3A_27] {strides = array<i32>} : memref<128xf32, #tpu.memory_space<vmem>>, vector<16xf32>,
    %swap3A_29 = vector.shape_cast %swap3A_28 : vector<16xf32> to vector<16xf32>
    %swap3A_30 = vector.shape_cast %broadcast_in_dim3A_26 : vector<16xf32> to vector<16xf32>
    tpu.vector_store %arg6[%swap3A_27], %swap3A_30 {strides = array<i32>} : memref<128xf32, #tpu.memory_space<vmem>>, vector<16xf32>,
    %broadcast_in_dim3A_31 = arith.constant 1.000000e+00 : f32
    %broadcast_in_dim3A_32 = vector.broadcast %broadcast_in_dim3A_31 : f32 to vector<16xf32>
    %swap3A_33 = arith.constant 80 : index
    %swap3A_34 = tpu.vector_load %arg6[%swap3A_33] {strides = array<i32>} : memref<128xf32, #tpu.memory_space<vmem>>, vector<16xf32>,
    %swap3A_35 = vector.shape_cast %swap3A_34 : vector<16xf32> to vector<16xf32>
    %swap3A_36 = vector.shape_cast %broadcast_in_dim3A_32 : vector<16xf32> to vector<16xf32>
    tpu.vector_store %arg6[%swap3A_33], %swap3A_36 {strides = array<i32>} : memref<128xf32, #tpu.memory_space<vmem>>, vector<16xf32>,
    %broadcast_in_dim3A_37 = arith.constant 1.000000e+00 : f32
    %broadcast_in_dim3A_38 = vector.broadcast %broadcast_in_dim3A_37 : f32 to vector<16xf32>
    %swap3A_39 = arith.constant 96 : index
    %swap3A_40 = tpu.vector_load %arg6[%swap3A_39] {strides = array<i32>} : memref<128xf32, #tpu.memory_space<vmem>>, vector<16xf32>,
    %swap3A_41 = vector.shape_cast %swap3A_40 : vector<16xf32> to vector<16xf32>
    %swap3A_42 = vector.shape_cast %broadcast_in_dim3A_38 : vector<16xf32> to vector<16xf32>
    tpu.vector_store %arg6[%swap3A_39], %swap3A_42 {strides = array<i32>} : memref<128xf32, #tpu.memory_space<vmem>>, vector<16xf32>,
    %broadcast_in_dim3A_43 = arith.constant 1.000000e+00 : f32
    %broadcast_in_dim3A_44 = vector.broadcast %broadcast_in_dim3A_43 : f32 to vector<16xf32>
    %swap3A_45 = arith.constant 112 : index
    %swap3A_46 = tpu.vector_load %arg6[%swap3A_45] {strides = array<i32>} : memref<128xf32, #tpu.memory_space<vmem>>, vector<16xf32>,
    %swap3A_47 = vector.shape_cast %swap3A_46 : vector<16xf32> to vector<16xf32>
    %swap3A_48 = vector.shape_cast %broadcast_in_dim3A_44 : vector<16xf32> to vector<16xf32>
    tpu.vector_store %arg6[%swap3A_45], %swap3A_48 {strides = array<i32>} : memref<128xf32, #tpu.memory_space<vmem>>, vector<16xf32>,
    "tpu.region"() ({
      %run_scoped3A_62 = tpu.sem_alloc : memref<!tpu.dma_semaphore, #tpu.memory_space<semaphore_mem>>
      %dma_start3A = arith.constant 0 : i32
      %dma_start3A_63 = arith.constant 0 : i32
      %dma_start3A_64 = tpu.memref_slice %arg2[%add3A, %dma_start3A, %dma_start3A_63] : memref<32x8x128xi32, #tpu.memory_space<hbm>> -> memref<1x8x128xi32, #tpu.memory_space<hbm>>
      %dma_start3A_65 = tpu.memref_squeeze %dma_start3A_64 : memref<1x8x128xi32, #tpu.memory_space<hbm>> -> memref<8x128xi32, #tpu.memory_space<hbm>>
      %dma_start3A_66 = arith.constant 0 : i32
      %dma_start3A_67 = arith.constant 0 : i32
      %dma_start3A_68 = tpu.memref_slice %arg2[%add3A, %dma_start3A_66, %dma_start3A_67] : memref<32x8x128xi32, #tpu.memory_space<hbm>> -> memref<1x8x128xi32, #tpu.memory_space<hbm>>
      %dma_start3A_69 = tpu.memref_squeeze %dma_start3A_68 : memref<1x8x128xi32, #tpu.memory_space<hbm>> -> memref<8x128xi32, #tpu.memory_space<hbm>>
      tpu.enqueue_dma source(%dma_start3A_69 : memref<8x128xi32, #tpu.memory_space<hbm>>) target(%arg5 : memref<8x128xi32, #tpu.memory_space<vmem>>) target_semaphore(%run_scoped3A_62 : memref<!tpu.dma_semaphore, #tpu.memory_space<semaphore_mem>>)
      %dma_wait3A = arith.constant 0 : i32
      %dma_wait3A_70 = arith.constant 0 : i32
      %dma_wait3A_71 = tpu.memref_slice %arg2[%add3A, %dma_wait3A, %dma_wait3A_70] : memref<32x8x128xi32, #tpu.memory_space<hbm>> -> memref<1x8x128xi32, #tpu.memory_space<hbm>>
      %dma_wait3A_72 = tpu.memref_squeeze %dma_wait3A_71 : memref<1x8x128xi32, #tpu.memory_space<hbm>> -> memref<8x128xi32, #tpu.memory_space<hbm>>
      %dma_wait3A_73 = arith.constant 0 : i32
      %dma_wait3A_74 = arith.constant 0 : i32
      %dma_wait3A_75 = tpu.memref_slice %arg2[%add3A, %dma_wait3A_73, %dma_wait3A_74] : memref<32x8x128xi32, #tpu.memory_space<hbm>> -> memref<1x8x128xi32, #tpu.memory_space<hbm>>
      %dma_wait3A_76 = tpu.memref_squeeze %dma_wait3A_75 : memref<1x8x128xi32, #tpu.memory_space<hbm>> -> memref<8x128xi32, #tpu.memory_space<hbm>>
      tpu.wait_dma2 semaphore(%run_scoped3A_62 : memref<!tpu.dma_semaphore, #tpu.memory_space<semaphore_mem>>) src(%dma_wait3A_76 : memref<8x128xi32, #tpu.memory_space<hbm>>) dst(%arg5 : memref<8x128xi32, #tpu.memory_space<vmem>>)
      tpu.yield
    }) : () -> ()
    %barrier3A = arith.constant 0 : index
    tpu.barrier barrier_id(%barrier3A)
    %run_scoped3A = arith.constant 0 : i32
    "tpu.region"() ({
      %run_scoped3A_62 = tpu.sem_alloc : memref<!tpu.dma_semaphore, #tpu.memory_space<semaphore_mem>>
      %dma_start3A = arith.constant 0 : i32
      %dma_start3A_63 = tpu.memref_slice %arg5[%run_scoped3A, %dma_start3A] : memref<8x128xi32, #tpu.memory_space<vmem>> -> memref<1x128xi32, #tpu.memory_space<vmem>>
      %dma_start3A_64 = tpu.memref_squeeze %dma_start3A_63 : memref<1x128xi32, #tpu.memory_space<vmem>> -> memref<128xi32, #tpu.memory_space<vmem>>
      %dma_start3A_65 = arith.constant 0 : i32
      %dma_start3A_66 = tpu.memref_slice %arg7[%dma_start3A_65] : memref<16384xf32, #tpu.memory_space<vmem_shared>> -> memref<16384xf32, #tpu.memory_space<vmem_shared>>
      tpu.enqueue_indirect_dma source(%arg6 : memref<128xf32, #tpu.memory_space<vmem>>) target(%dma_start3A_66 : memref<16384xf32, #tpu.memory_space<vmem_shared>>) offsets(%dma_start3A_64 : memref<128xi32, #tpu.memory_space<vmem>>) semaphore(%run_scoped3A_62 : memref<!tpu.dma_semaphore, #tpu.memory_space<semaphore_mem>>) {add = true}
      %dma_wait3A = arith.constant 0 : i32
      %dma_wait3A_67 = tpu.memref_slice %arg5[%run_scoped3A, %dma_wait3A] : memref<8x128xi32, #tpu.memory_space<vmem>> -> memref<1x128xi32, #tpu.memory_space<vmem>>
      %dma_wait3A_68 = tpu.memref_squeeze %dma_wait3A_67 : memref<1x128xi32, #tpu.memory_space<vmem>> -> memref<128xi32, #tpu.memory_space<vmem>>
      %dma_wait3A_69 = arith.constant 0 : i32
      %dma_wait3A_70 = tpu.memref_slice %arg7[%dma_wait3A_69] : memref<16384xf32, #tpu.memory_space<vmem_shared>> -> memref<16384xf32, #tpu.memory_space<vmem_shared>>
      tpu.wait_indirect_dma semaphore(%run_scoped3A_62 : memref<!tpu.dma_semaphore, #tpu.memory_space<semaphore_mem>>) src(%arg6 : memref<128xf32, #tpu.memory_space<vmem>>) dst(%dma_wait3A_70 : memref<16384xf32, #tpu.memory_space<vmem_shared>>)
      tpu.yield
    }) : () -> ()
    %run_scoped3A_49 = arith.constant 1 : i32
    "tpu.region"() ({
      %run_scoped3A_62 = tpu.sem_alloc : memref<!tpu.dma_semaphore, #tpu.memory_space<semaphore_mem>>
      %dma_start3A = arith.constant 0 : i32
      %dma_start3A_63 = tpu.memref_slice %arg5[%run_scoped3A_49, %dma_start3A] : memref<8x128xi32, #tpu.memory_space<vmem>> -> memref<1x128xi32, #tpu.memory_space<vmem>>
      %dma_start3A_64 = tpu.memref_squeeze %dma_start3A_63 : memref<1x128xi32, #tpu.memory_space<vmem>> -> memref<128xi32, #tpu.memory_space<vmem>>
      %dma_start3A_65 = arith.constant 0 : i32
      %dma_start3A_66 = tpu.memref_slice %arg7[%dma_start3A_65] : memref<16384xf32, #tpu.memory_space<vmem_shared>> -> memref<16384xf32, #tpu.memory_space<vmem_shared>>
      tpu.enqueue_indirect_dma source(%arg6 : memref<128xf32, #tpu.memory_space<vmem>>) target(%dma_start3A_66 : memref<16384xf32, #tpu.memory_space<vmem_shared>>) offsets(%dma_start3A_64 : memref<128xi32, #tpu.memory_space<vmem>>) semaphore(%run_scoped3A_62 : memref<!tpu.dma_semaphore, #tpu.memory_space<semaphore_mem>>) {add = true}
      %dma_wait3A = arith.constant 0 : i32
      %dma_wait3A_67 = tpu.memref_slice %arg5[%run_scoped3A_49, %dma_wait3A] : memref<8x128xi32, #tpu.memory_space<vmem>> -> memref<1x128xi32, #tpu.memory_space<vmem>>
      %dma_wait3A_68 = tpu.memref_squeeze %dma_wait3A_67 : memref<1x128xi32, #tpu.memory_space<vmem>> -> memref<128xi32, #tpu.memory_space<vmem>>
      %dma_wait3A_69 = arith.constant 0 : i32
      %dma_wait3A_70 = tpu.memref_slice %arg7[%dma_wait3A_69] : memref<16384xf32, #tpu.memory_space<vmem_shared>> -> memref<16384xf32, #tpu.memory_space<vmem_shared>>
      tpu.wait_indirect_dma semaphore(%run_scoped3A_62 : memref<!tpu.dma_semaphore, #tpu.memory_space<semaphore_mem>>) src(%arg6 : memref<128xf32, #tpu.memory_space<vmem>>) dst(%dma_wait3A_70 : memref<16384xf32, #tpu.memory_space<vmem_shared>>)
      tpu.yield
    }) : () -> ()
    %run_scoped3A_50 = arith.constant 2 : i32
    "tpu.region"() ({
      %run_scoped3A_62 = tpu.sem_alloc : memref<!tpu.dma_semaphore, #tpu.memory_space<semaphore_mem>>
      %dma_start3A = arith.constant 0 : i32
      %dma_start3A_63 = tpu.memref_slice %arg5[%run_scoped3A_50, %dma_start3A] : memref<8x128xi32, #tpu.memory_space<vmem>> -> memref<1x128xi32, #tpu.memory_space<vmem>>
      %dma_start3A_64 = tpu.memref_squeeze %dma_start3A_63 : memref<1x128xi32, #tpu.memory_space<vmem>> -> memref<128xi32, #tpu.memory_space<vmem>>
      %dma_start3A_65 = arith.constant 0 : i32
      %dma_start3A_66 = tpu.memref_slice %arg7[%dma_start3A_65] : memref<16384xf32, #tpu.memory_space<vmem_shared>> -> memref<16384xf32, #tpu.memory_space<vmem_shared>>
      tpu.enqueue_indirect_dma source(%arg6 : memref<128xf32, #tpu.memory_space<vmem>>) target(%dma_start3A_66 : memref<16384xf32, #tpu.memory_space<vmem_shared>>) offsets(%dma_start3A_64 : memref<128xi32, #tpu.memory_space<vmem>>) semaphore(%run_scoped3A_62 : memref<!tpu.dma_semaphore, #tpu.memory_space<semaphore_mem>>) {add = true}
      %dma_wait3A = arith.constant 0 : i32
      %dma_wait3A_67 = tpu.memref_slice %arg5[%run_scoped3A_50, %dma_wait3A] : memref<8x128xi32, #tpu.memory_space<vmem>> -> memref<1x128xi32, #tpu.memory_space<vmem>>
      %dma_wait3A_68 = tpu.memref_squeeze %dma_wait3A_67 : memref<1x128xi32, #tpu.memory_space<vmem>> -> memref<128xi32, #tpu.memory_space<vmem>>
      %dma_wait3A_69 = arith.constant 0 : i32
      %dma_wait3A_70 = tpu.memref_slice %arg7[%dma_wait3A_69] : memref<16384xf32, #tpu.memory_space<vmem_shared>> -> memref<16384xf32, #tpu.memory_space<vmem_shared>>
      tpu.wait_indirect_dma semaphore(%run_scoped3A_62 : memref<!tpu.dma_semaphore, #tpu.memory_space<semaphore_mem>>) src(%arg6 : memref<128xf32, #tpu.memory_space<vmem>>) dst(%dma_wait3A_70 : memref<16384xf32, #tpu.memory_space<vmem_shared>>)
      tpu.yield
    }) : () -> ()
    %run_scoped3A_51 = arith.constant 3 : i32
    "tpu.region"() ({
      %run_scoped3A_62 = tpu.sem_alloc : memref<!tpu.dma_semaphore, #tpu.memory_space<semaphore_mem>>
      %dma_start3A = arith.constant 0 : i32
      %dma_start3A_63 = tpu.memref_slice %arg5[%run_scoped3A_51, %dma_start3A] : memref<8x128xi32, #tpu.memory_space<vmem>> -> memref<1x128xi32, #tpu.memory_space<vmem>>
      %dma_start3A_64 = tpu.memref_squeeze %dma_start3A_63 : memref<1x128xi32, #tpu.memory_space<vmem>> -> memref<128xi32, #tpu.memory_space<vmem>>
      %dma_start3A_65 = arith.constant 0 : i32
      %dma_start3A_66 = tpu.memref_slice %arg7[%dma_start3A_65] : memref<16384xf32, #tpu.memory_space<vmem_shared>> -> memref<16384xf32, #tpu.memory_space<vmem_shared>>
      tpu.enqueue_indirect_dma source(%arg6 : memref<128xf32, #tpu.memory_space<vmem>>) target(%dma_start3A_66 : memref<16384xf32, #tpu.memory_space<vmem_shared>>) offsets(%dma_start3A_64 : memref<128xi32, #tpu.memory_space<vmem>>) semaphore(%run_scoped3A_62 : memref<!tpu.dma_semaphore, #tpu.memory_space<semaphore_mem>>) {add = true}
      %dma_wait3A = arith.constant 0 : i32
      %dma_wait3A_67 = tpu.memref_slice %arg5[%run_scoped3A_51, %dma_wait3A] : memref<8x128xi32, #tpu.memory_space<vmem>> -> memref<1x128xi32, #tpu.memory_space<vmem>>
      %dma_wait3A_68 = tpu.memref_squeeze %dma_wait3A_67 : memref<1x128xi32, #tpu.memory_space<vmem>> -> memref<128xi32, #tpu.memory_space<vmem>>
      %dma_wait3A_69 = arith.constant 0 : i32
      %dma_wait3A_70 = tpu.memref_slice %arg7[%dma_wait3A_69] : memref<16384xf32, #tpu.memory_space<vmem_shared>> -> memref<16384xf32, #tpu.memory_space<vmem_shared>>
      tpu.wait_indirect_dma semaphore(%run_scoped3A_62 : memref<!tpu.dma_semaphore, #tpu.memory_space<semaphore_mem>>) src(%arg6 : memref<128xf32, #tpu.memory_space<vmem>>) dst(%dma_wait3A_70 : memref<16384xf32, #tpu.memory_space<vmem_shared>>)
      tpu.yield
    }) : () -> ()
    %run_scoped3A_52 = arith.constant 4 : i32
    "tpu.region"() ({
      %run_scoped3A_62 = tpu.sem_alloc : memref<!tpu.dma_semaphore, #tpu.memory_space<semaphore_mem>>
      %dma_start3A = arith.constant 0 : i32
      %dma_start3A_63 = tpu.memref_slice %arg5[%run_scoped3A_52, %dma_start3A] : memref<8x128xi32, #tpu.memory_space<vmem>> -> memref<1x128xi32, #tpu.memory_space<vmem>>
      %dma_start3A_64 = tpu.memref_squeeze %dma_start3A_63 : memref<1x128xi32, #tpu.memory_space<vmem>> -> memref<128xi32, #tpu.memory_space<vmem>>
      %dma_start3A_65 = arith.constant 0 : i32
      %dma_start3A_66 = tpu.memref_slice %arg7[%dma_start3A_65] : memref<16384xf32, #tpu.memory_space<vmem_shared>> -> memref<16384xf32, #tpu.memory_space<vmem_shared>>
      tpu.enqueue_indirect_dma source(%arg6 : memref<128xf32, #tpu.memory_space<vmem>>) target(%dma_start3A_66 : memref<16384xf32, #tpu.memory_space<vmem_shared>>) offsets(%dma_start3A_64 : memref<128xi32, #tpu.memory_space<vmem>>) semaphore(%run_scoped3A_62 : memref<!tpu.dma_semaphore, #tpu.memory_space<semaphore_mem>>) {add = true}
      %dma_wait3A = arith.constant 0 : i32
      %dma_wait3A_67 = tpu.memref_slice %arg5[%run_scoped3A_52, %dma_wait3A] : memref<8x128xi32, #tpu.memory_space<vmem>> -> memref<1x128xi32, #tpu.memory_space<vmem>>
      %dma_wait3A_68 = tpu.memref_squeeze %dma_wait3A_67 : memref<1x128xi32, #tpu.memory_space<vmem>> -> memref<128xi32, #tpu.memory_space<vmem>>
      %dma_wait3A_69 = arith.constant 0 : i32
      %dma_wait3A_70 = tpu.memref_slice %arg7[%dma_wait3A_69] : memref<16384xf32, #tpu.memory_space<vmem_shared>> -> memref<16384xf32, #tpu.memory_space<vmem_shared>>
      tpu.wait_indirect_dma semaphore(%run_scoped3A_62 : memref<!tpu.dma_semaphore, #tpu.memory_space<semaphore_mem>>) src(%arg6 : memref<128xf32, #tpu.memory_space<vmem>>) dst(%dma_wait3A_70 : memref<16384xf32, #tpu.memory_space<vmem_shared>>)
      tpu.yield
    }) : () -> ()
    %run_scoped3A_53 = arith.constant 5 : i32
    "tpu.region"() ({
      %run_scoped3A_62 = tpu.sem_alloc : memref<!tpu.dma_semaphore, #tpu.memory_space<semaphore_mem>>
      %dma_start3A = arith.constant 0 : i32
      %dma_start3A_63 = tpu.memref_slice %arg5[%run_scoped3A_53, %dma_start3A] : memref<8x128xi32, #tpu.memory_space<vmem>> -> memref<1x128xi32, #tpu.memory_space<vmem>>
      %dma_start3A_64 = tpu.memref_squeeze %dma_start3A_63 : memref<1x128xi32, #tpu.memory_space<vmem>> -> memref<128xi32, #tpu.memory_space<vmem>>
      %dma_start3A_65 = arith.constant 0 : i32
      %dma_start3A_66 = tpu.memref_slice %arg7[%dma_start3A_65] : memref<16384xf32, #tpu.memory_space<vmem_shared>> -> memref<16384xf32, #tpu.memory_space<vmem_shared>>
      tpu.enqueue_indirect_dma source(%arg6 : memref<128xf32, #tpu.memory_space<vmem>>) target(%dma_start3A_66 : memref<16384xf32, #tpu.memory_space<vmem_shared>>) offsets(%dma_start3A_64 : memref<128xi32, #tpu.memory_space<vmem>>) semaphore(%run_scoped3A_62 : memref<!tpu.dma_semaphore, #tpu.memory_space<semaphore_mem>>) {add = true}
      %dma_wait3A = arith.constant 0 : i32
      %dma_wait3A_67 = tpu.memref_slice %arg5[%run_scoped3A_53, %dma_wait3A] : memref<8x128xi32, #tpu.memory_space<vmem>> -> memref<1x128xi32, #tpu.memory_space<vmem>>
      %dma_wait3A_68 = tpu.memref_squeeze %dma_wait3A_67 : memref<1x128xi32, #tpu.memory_space<vmem>> -> memref<128xi32, #tpu.memory_space<vmem>>
      %dma_wait3A_69 = arith.constant 0 : i32
      %dma_wait3A_70 = tpu.memref_slice %arg7[%dma_wait3A_69] : memref<16384xf32, #tpu.memory_space<vmem_shared>> -> memref<16384xf32, #tpu.memory_space<vmem_shared>>
      tpu.wait_indirect_dma semaphore(%run_scoped3A_62 : memref<!tpu.dma_semaphore, #tpu.memory_space<semaphore_mem>>) src(%arg6 : memref<128xf32, #tpu.memory_space<vmem>>) dst(%dma_wait3A_70 : memref<16384xf32, #tpu.memory_space<vmem_shared>>)
      tpu.yield
    }) : () -> ()
    %run_scoped3A_54 = arith.constant 6 : i32
    "tpu.region"() ({
      %run_scoped3A_62 = tpu.sem_alloc : memref<!tpu.dma_semaphore, #tpu.memory_space<semaphore_mem>>
      %dma_start3A = arith.constant 0 : i32
      %dma_start3A_63 = tpu.memref_slice %arg5[%run_scoped3A_54, %dma_start3A] : memref<8x128xi32, #tpu.memory_space<vmem>> -> memref<1x128xi32, #tpu.memory_space<vmem>>
      %dma_start3A_64 = tpu.memref_squeeze %dma_start3A_63 : memref<1x128xi32, #tpu.memory_space<vmem>> -> memref<128xi32, #tpu.memory_space<vmem>>
      %dma_start3A_65 = arith.constant 0 : i32
      %dma_start3A_66 = tpu.memref_slice %arg7[%dma_start3A_65] : memref<16384xf32, #tpu.memory_space<vmem_shared>> -> memref<16384xf32, #tpu.memory_space<vmem_shared>>
      tpu.enqueue_indirect_dma source(%arg6 : memref<128xf32, #tpu.memory_space<vmem>>) target(%dma_start3A_66 : memref<16384xf32, #tpu.memory_space<vmem_shared>>) offsets(%dma_start3A_64 : memref<128xi32, #tpu.memory_space<vmem>>) semaphore(%run_scoped3A_62 : memref<!tpu.dma_semaphore, #tpu.memory_space<semaphore_mem>>) {add = true}
      %dma_wait3A = arith.constant 0 : i32
      %dma_wait3A_67 = tpu.memref_slice %arg5[%run_scoped3A_54, %dma_wait3A] : memref<8x128xi32, #tpu.memory_space<vmem>> -> memref<1x128xi32, #tpu.memory_space<vmem>>
      %dma_wait3A_68 = tpu.memref_squeeze %dma_wait3A_67 : memref<1x128xi32, #tpu.memory_space<vmem>> -> memref<128xi32, #tpu.memory_space<vmem>>
      %dma_wait3A_69 = arith.constant 0 : i32
      %dma_wait3A_70 = tpu.memref_slice %arg7[%dma_wait3A_69] : memref<16384xf32, #tpu.memory_space<vmem_shared>> -> memref<16384xf32, #tpu.memory_space<vmem_shared>>
      tpu.wait_indirect_dma semaphore(%run_scoped3A_62 : memref<!tpu.dma_semaphore, #tpu.memory_space<semaphore_mem>>) src(%arg6 : memref<128xf32, #tpu.memory_space<vmem>>) dst(%dma_wait3A_70 : memref<16384xf32, #tpu.memory_space<vmem_shared>>)
      tpu.yield
    }) : () -> ()
    %run_scoped3A_55 = arith.constant 7 : i32
    "tpu.region"() ({
      %run_scoped3A_62 = tpu.sem_alloc : memref<!tpu.dma_semaphore, #tpu.memory_space<semaphore_mem>>
      %dma_start3A = arith.constant 0 : i32
      %dma_start3A_63 = tpu.memref_slice %arg5[%run_scoped3A_55, %dma_start3A] : memref<8x128xi32, #tpu.memory_space<vmem>> -> memref<1x128xi32, #tpu.memory_space<vmem>>
      %dma_start3A_64 = tpu.memref_squeeze %dma_start3A_63 : memref<1x128xi32, #tpu.memory_space<vmem>> -> memref<128xi32, #tpu.memory_space<vmem>>
      %dma_start3A_65 = arith.constant 0 : i32
      %dma_start3A_66 = tpu.memref_slice %arg7[%dma_start3A_65] : memref<16384xf32, #tpu.memory_space<vmem_shared>> -> memref<16384xf32, #tpu.memory_space<vmem_shared>>
      tpu.enqueue_indirect_dma source(%arg6 : memref<128xf32, #tpu.memory_space<vmem>>) target(%dma_start3A_66 : memref<16384xf32, #tpu.memory_space<vmem_shared>>) offsets(%dma_start3A_64 : memref<128xi32, #tpu.memory_space<vmem>>) semaphore(%run_scoped3A_62 : memref<!tpu.dma_semaphore, #tpu.memory_space<semaphore_mem>>) {add = true}
      %dma_wait3A = arith.constant 0 : i32
      %dma_wait3A_67 = tpu.memref_slice %arg5[%run_scoped3A_55, %dma_wait3A] : memref<8x128xi32, #tpu.memory_space<vmem>> -> memref<1x128xi32, #tpu.memory_space<vmem>>
      %dma_wait3A_68 = tpu.memref_squeeze %dma_wait3A_67 : memref<1x128xi32, #tpu.memory_space<vmem>> -> memref<128xi32, #tpu.memory_space<vmem>>
      %dma_wait3A_69 = arith.constant 0 : i32
      %dma_wait3A_70 = tpu.memref_slice %arg7[%dma_wait3A_69] : memref<16384xf32, #tpu.memory_space<vmem_shared>> -> memref<16384xf32, #tpu.memory_space<vmem_shared>>
      tpu.wait_indirect_dma semaphore(%run_scoped3A_62 : memref<!tpu.dma_semaphore, #tpu.memory_space<semaphore_mem>>) src(%arg6 : memref<128xf32, #tpu.memory_space<vmem>>) dst(%dma_wait3A_70 : memref<16384xf32, #tpu.memory_space<vmem_shared>>)
      tpu.yield
    }) : () -> ()
    %barrier3A_56 = arith.constant 0 : index
    tpu.barrier barrier_id(%barrier3A_56)
    %eq3A_57 = arith.constant 0 : i32
    %eq3A_58 = arith.cmpi eq, %arg1, %eq3A_57 : i32
    %convert_element_type3A_59 = arith.extui %eq3A_58 : i1 to i32
    %cond3A_60 = arith.constant 0 : i32
    %cond3A_61 = arith.cmpi ne, %convert_element_type3A_59, %cond3A_60 : i32
    scf.if %cond3A_61 {
      "tpu.region"() ({
        %run_scoped3A_62 = tpu.sem_alloc : memref<!tpu.dma_semaphore, #tpu.memory_space<semaphore_mem>>
        %dma_start3A = arith.constant 0 : i32
        %dma_start3A_63 = tpu.memref_slice %arg4[%arg0, %dma_start3A] : memref<2x16384xf32, #tpu.memory_space<hbm>> -> memref<1x16384xf32, #tpu.memory_space<hbm>>
        %dma_start3A_64 = tpu.memref_squeeze %dma_start3A_63 : memref<1x16384xf32, #tpu.memory_space<hbm>> -> memref<16384xf32, #tpu.memory_space<hbm>>
        tpu.enqueue_dma source(%arg7 : memref<16384xf32, #tpu.memory_space<vmem_shared>>) target(%dma_start3A_64 : memref<16384xf32, #tpu.memory_space<hbm>>) target_semaphore(%run_scoped3A_62 : memref<!tpu.dma_semaphore, #tpu.memory_space<semaphore_mem>>)
        %dma_wait3A = arith.constant 0 : i32
        %dma_wait3A_65 = tpu.memref_slice %arg4[%arg0, %dma_wait3A] : memref<2x16384xf32, #tpu.memory_space<hbm>> -> memref<1x16384xf32, #tpu.memory_space<hbm>>
        %dma_wait3A_66 = tpu.memref_squeeze %dma_wait3A_65 : memref<1x16384xf32, #tpu.memory_space<hbm>> -> memref<16384xf32, #tpu.memory_space<hbm>>
        tpu.wait_dma2 semaphore(%run_scoped3A_62 : memref<!tpu.dma_semaphore, #tpu.memory_space<semaphore_mem>>) src(%arg7 : memref<16384xf32, #tpu.memory_space<vmem_shared>>) dst(%dma_wait3A_66 : memref<16384xf32, #tpu.memory_space<hbm>>)
        tpu.yield
      }) : () -> ()
    } else {
    }
    return
  }
}

module attributes {stable_mosaic.version = 14 : i64} {
  func.func @_argmin_body(%arg0: i32, %arg1: i32, %arg2: memref<2048x8xf32, #tpu.memory_space<vmem>>, %arg3: memref<8x2048xf32, #tpu.memory_space<vmem>>, %arg4: memref<2048xi32, #tpu.memory_space<vmem>>, %arg5: memref<2048xf32, #tpu.memory_space<vmem>>, %arg6: memref<2048xi32, #tpu.memory_space<vmem>>) attributes {dimension_semantics = [#tpu.dimension_semantics<parallel>, #tpu.dimension_semantics<arbitrary>], iteration_bounds = array<i64: 16, 8>, scalar_prefetch = 0 : i64, scratch_operands = 2 : i64, tpu.core_type = #tpu.core_type<tc>, window_params = [{transform_indices = @transform_0, window_bounds = array<i64: 2048, 8>}, {transform_indices = @transform_1, window_bounds = array<i64: 8, 2048>}, {transform_indices = @transform_2, window_bounds = array<i64: 2048>}]} {
    %eq3A = arith.constant 0 : i32
    %eq3A_0 = arith.cmpi eq, %arg1, %eq3A : i32
    %convert_element_type3A = arith.extui %eq3A_0 : i1 to i32
    %cond3A = arith.constant 0 : i32
    %cond3A_1 = arith.cmpi ne, %convert_element_type3A, %cond3A : i32
    scf.if %cond3A_1 {
      %broadcast_in_dim3A_349 = arith.constant 0x7F800000 : f32
      %broadcast_in_dim3A_350 = vector.broadcast %broadcast_in_dim3A_349 : f32 to vector<2048xf32>
      %swap3A_351 = arith.constant 0 : index
      %swap3A_352 = vector.load %arg5[%swap3A_351] : memref<2048xf32, #tpu.memory_space<vmem>>, vector<2048xf32>
      tpu.vector_store %arg5[%swap3A_351], %broadcast_in_dim3A_350 {strides = array<i32>} : memref<2048xf32, #tpu.memory_space<vmem>>, vector<2048xf32>,
      %broadcast_in_dim3A_353 = arith.constant 0 : i32
      %broadcast_in_dim3A_354 = vector.broadcast %broadcast_in_dim3A_353 : i32 to vector<2048xi32>
      %swap3A_355 = arith.constant 0 : index
      %swap3A_356 = vector.load %arg6[%swap3A_355] : memref<2048xi32, #tpu.memory_space<vmem>>, vector<2048xi32>
      tpu.vector_store %arg6[%swap3A_355], %broadcast_in_dim3A_354 {strides = array<i32>} : memref<2048xi32, #tpu.memory_space<vmem>>, vector<2048xi32>,
    } else {
    }
    %get3A = arith.constant 0 : index
    %get3A_2 = arith.constant 0 : index
    %get3A_3 = vector.load %arg3[%get3A, %get3A_2] : memref<8x2048xf32, #tpu.memory_space<vmem>>, vector<8x2048xf32>
    %iota3A = tpu.iota {dimensions = array<i32: 0>} : vector<128x2048xi32>
    %convert_element_type3A_4 = arith.sitofp %iota3A : vector<128x2048xi32> to vector<128x2048xf32>
    %get3A_5 = arith.constant 0 : index
    %get3A_6 = arith.constant 0 : index
    %get3A_7 = vector.load %arg2[%get3A_5, %get3A_6] : memref<2048x8xf32, #tpu.memory_space<vmem>>, vector<128x8xf32>
    %dot_general3A = arith.constant dense<0.000000e+00> : vector<128x2048xf32>
    %dot_general3A_8 = tpu.matmul %get3A_7, %get3A_3, %dot_general3A {dimension_numbers = #tpu.dot_dimension_numbers<[1], [0], [0], [1], [0, 0, 1, 1], [], []>, precision = #tpu.contract_precision<fp32>, transpose_lhs_hint = false} : vector<128x8xf32>, vector<8x2048xf32>, vector<128x2048xf32> -> vector<128x2048xf32>
    %reduce_min3A = arith.constant dense<0x7F800000> : vector<2048xf32>
    %reduce_min3A_9 = vector.multi_reduction <minimumf>, %dot_general3A_8, %reduce_min3A [0] : vector<128x2048xf32> to vector<2048xf32>
    %broadcast_in_dim3A = vector.shape_cast %reduce_min3A_9 : vector<2048xf32> to vector<1x2048xf32>
    %eq3A_10 = vector.broadcast %broadcast_in_dim3A : vector<1x2048xf32> to vector<128x2048xf32>
    %eq3A_11 = arith.cmpf oeq, %dot_general3A_8, %eq3A_10 : vector<128x2048xf32>
    %jit3A = arith.constant 1.000000e+09 : f32
    %broadcast_in_dim3A_12 = vector.broadcast %jit3A : f32 to vector<128x2048xf32>
    %select_n3A = arith.select %eq3A_11, %convert_element_type3A_4, %broadcast_in_dim3A_12 : vector<128x2048xi1>, vector<128x2048xf32>
    %reduce_min3A_13 = arith.constant dense<0x7F800000> : vector<2048xf32>
    %reduce_min3A_14 = vector.multi_reduction <minimumf>, %select_n3A, %reduce_min3A_13 [0] : vector<128x2048xf32> to vector<2048xf32>
    %add3A = arith.constant 0.000000e+00 : f32
    %add3A_15 = vector.broadcast %add3A : f32 to vector<2048xf32>
    %add3A_16 = arith.addf %reduce_min3A_14, %add3A_15 : vector<2048xf32>
    %get3A_17 = arith.constant 128 : index
    %get3A_18 = arith.constant 0 : index
    %get3A_19 = vector.load %arg2[%get3A_17, %get3A_18] : memref<2048x8xf32, #tpu.memory_space<vmem>>, vector<128x8xf32>
    %dot_general3A_20 = arith.constant dense<0.000000e+00> : vector<128x2048xf32>
    %dot_general3A_21 = tpu.matmul %get3A_19, %get3A_3, %dot_general3A_20 {dimension_numbers = #tpu.dot_dimension_numbers<[1], [0], [0], [1], [0, 0, 1, 1], [], []>, precision = #tpu.contract_precision<fp32>, transpose_lhs_hint = false} : vector<128x8xf32>, vector<8x2048xf32>, vector<128x2048xf32> -> vector<128x2048xf32>
    %reduce_min3A_22 = arith.constant dense<0x7F800000> : vector<2048xf32>
    %reduce_min3A_23 = vector.multi_reduction <minimumf>, %dot_general3A_21, %reduce_min3A_22 [0] : vector<128x2048xf32> to vector<2048xf32>
    %broadcast_in_dim3A_24 = vector.shape_cast %reduce_min3A_23 : vector<2048xf32> to vector<1x2048xf32>
    %eq3A_25 = vector.broadcast %broadcast_in_dim3A_24 : vector<1x2048xf32> to vector<128x2048xf32>
    %eq3A_26 = arith.cmpf oeq, %dot_general3A_21, %eq3A_25 : vector<128x2048xf32>
    %jit3A_27 = arith.constant 1.000000e+09 : f32
    %broadcast_in_dim3A_28 = vector.broadcast %jit3A_27 : f32 to vector<128x2048xf32>
    %select_n3A_29 = arith.select %eq3A_26, %convert_element_type3A_4, %broadcast_in_dim3A_28 : vector<128x2048xi1>, vector<128x2048xf32>
    %reduce_min3A_30 = arith.constant dense<0x7F800000> : vector<2048xf32>
    %reduce_min3A_31 = vector.multi_reduction <minimumf>, %select_n3A_29, %reduce_min3A_30 [0] : vector<128x2048xf32> to vector<2048xf32>
    %add3A_32 = arith.constant 1.280000e+02 : f32
    %add3A_33 = vector.broadcast %add3A_32 : f32 to vector<2048xf32>
    %add3A_34 = arith.addf %reduce_min3A_31, %add3A_33 : vector<2048xf32>
    %get3A_35 = arith.constant 256 : index
    %get3A_36 = arith.constant 0 : index
    %get3A_37 = vector.load %arg2[%get3A_35, %get3A_36] : memref<2048x8xf32, #tpu.memory_space<vmem>>, vector<128x8xf32>
    %dot_general3A_38 = arith.constant dense<0.000000e+00> : vector<128x2048xf32>
    %dot_general3A_39 = tpu.matmul %get3A_37, %get3A_3, %dot_general3A_38 {dimension_numbers = #tpu.dot_dimension_numbers<[1], [0], [0], [1], [0, 0, 1, 1], [], []>, precision = #tpu.contract_precision<fp32>, transpose_lhs_hint = false} : vector<128x8xf32>, vector<8x2048xf32>, vector<128x2048xf32> -> vector<128x2048xf32>
    %reduce_min3A_40 = arith.constant dense<0x7F800000> : vector<2048xf32>
    %reduce_min3A_41 = vector.multi_reduction <minimumf>, %dot_general3A_39, %reduce_min3A_40 [0] : vector<128x2048xf32> to vector<2048xf32>
    %broadcast_in_dim3A_42 = vector.shape_cast %reduce_min3A_41 : vector<2048xf32> to vector<1x2048xf32>
    %eq3A_43 = vector.broadcast %broadcast_in_dim3A_42 : vector<1x2048xf32> to vector<128x2048xf32>
    %eq3A_44 = arith.cmpf oeq, %dot_general3A_39, %eq3A_43 : vector<128x2048xf32>
    %jit3A_45 = arith.constant 1.000000e+09 : f32
    %broadcast_in_dim3A_46 = vector.broadcast %jit3A_45 : f32 to vector<128x2048xf32>
    %select_n3A_47 = arith.select %eq3A_44, %convert_element_type3A_4, %broadcast_in_dim3A_46 : vector<128x2048xi1>, vector<128x2048xf32>
    %reduce_min3A_48 = arith.constant dense<0x7F800000> : vector<2048xf32>
    %reduce_min3A_49 = vector.multi_reduction <minimumf>, %select_n3A_47, %reduce_min3A_48 [0] : vector<128x2048xf32> to vector<2048xf32>
    %add3A_50 = arith.constant 2.560000e+02 : f32
    %add3A_51 = vector.broadcast %add3A_50 : f32 to vector<2048xf32>
    %add3A_52 = arith.addf %reduce_min3A_49, %add3A_51 : vector<2048xf32>
    %get3A_53 = arith.constant 384 : index
    %get3A_54 = arith.constant 0 : index
    %get3A_55 = vector.load %arg2[%get3A_53, %get3A_54] : memref<2048x8xf32, #tpu.memory_space<vmem>>, vector<128x8xf32>
    %dot_general3A_56 = arith.constant dense<0.000000e+00> : vector<128x2048xf32>
    %dot_general3A_57 = tpu.matmul %get3A_55, %get3A_3, %dot_general3A_56 {dimension_numbers = #tpu.dot_dimension_numbers<[1], [0], [0], [1], [0, 0, 1, 1], [], []>, precision = #tpu.contract_precision<fp32>, transpose_lhs_hint = false} : vector<128x8xf32>, vector<8x2048xf32>, vector<128x2048xf32> -> vector<128x2048xf32>
    %reduce_min3A_58 = arith.constant dense<0x7F800000> : vector<2048xf32>
    %reduce_min3A_59 = vector.multi_reduction <minimumf>, %dot_general3A_57, %reduce_min3A_58 [0] : vector<128x2048xf32> to vector<2048xf32>
    %broadcast_in_dim3A_60 = vector.shape_cast %reduce_min3A_59 : vector<2048xf32> to vector<1x2048xf32>
    %eq3A_61 = vector.broadcast %broadcast_in_dim3A_60 : vector<1x2048xf32> to vector<128x2048xf32>
    %eq3A_62 = arith.cmpf oeq, %dot_general3A_57, %eq3A_61 : vector<128x2048xf32>
    %jit3A_63 = arith.constant 1.000000e+09 : f32
    %broadcast_in_dim3A_64 = vector.broadcast %jit3A_63 : f32 to vector<128x2048xf32>
    %select_n3A_65 = arith.select %eq3A_62, %convert_element_type3A_4, %broadcast_in_dim3A_64 : vector<128x2048xi1>, vector<128x2048xf32>
    %reduce_min3A_66 = arith.constant dense<0x7F800000> : vector<2048xf32>
    %reduce_min3A_67 = vector.multi_reduction <minimumf>, %select_n3A_65, %reduce_min3A_66 [0] : vector<128x2048xf32> to vector<2048xf32>
    %add3A_68 = arith.constant 3.840000e+02 : f32
    %add3A_69 = vector.broadcast %add3A_68 : f32 to vector<2048xf32>
    %add3A_70 = arith.addf %reduce_min3A_67, %add3A_69 : vector<2048xf32>
    %get3A_71 = arith.constant 512 : index
    %get3A_72 = arith.constant 0 : index
    %get3A_73 = vector.load %arg2[%get3A_71, %get3A_72] : memref<2048x8xf32, #tpu.memory_space<vmem>>, vector<128x8xf32>
    %dot_general3A_74 = arith.constant dense<0.000000e+00> : vector<128x2048xf32>
    %dot_general3A_75 = tpu.matmul %get3A_73, %get3A_3, %dot_general3A_74 {dimension_numbers = #tpu.dot_dimension_numbers<[1], [0], [0], [1], [0, 0, 1, 1], [], []>, precision = #tpu.contract_precision<fp32>, transpose_lhs_hint = false} : vector<128x8xf32>, vector<8x2048xf32>, vector<128x2048xf32> -> vector<128x2048xf32>
    %reduce_min3A_76 = arith.constant dense<0x7F800000> : vector<2048xf32>
    %reduce_min3A_77 = vector.multi_reduction <minimumf>, %dot_general3A_75, %reduce_min3A_76 [0] : vector<128x2048xf32> to vector<2048xf32>
    %broadcast_in_dim3A_78 = vector.shape_cast %reduce_min3A_77 : vector<2048xf32> to vector<1x2048xf32>
    %eq3A_79 = vector.broadcast %broadcast_in_dim3A_78 : vector<1x2048xf32> to vector<128x2048xf32>
    %eq3A_80 = arith.cmpf oeq, %dot_general3A_75, %eq3A_79 : vector<128x2048xf32>
    %jit3A_81 = arith.constant 1.000000e+09 : f32
    %broadcast_in_dim3A_82 = vector.broadcast %jit3A_81 : f32 to vector<128x2048xf32>
    %select_n3A_83 = arith.select %eq3A_80, %convert_element_type3A_4, %broadcast_in_dim3A_82 : vector<128x2048xi1>, vector<128x2048xf32>
    %reduce_min3A_84 = arith.constant dense<0x7F800000> : vector<2048xf32>
    %reduce_min3A_85 = vector.multi_reduction <minimumf>, %select_n3A_83, %reduce_min3A_84 [0] : vector<128x2048xf32> to vector<2048xf32>
    %add3A_86 = arith.constant 5.120000e+02 : f32
    %add3A_87 = vector.broadcast %add3A_86 : f32 to vector<2048xf32>
    %add3A_88 = arith.addf %reduce_min3A_85, %add3A_87 : vector<2048xf32>
    %get3A_89 = arith.constant 640 : index
    %get3A_90 = arith.constant 0 : index
    %get3A_91 = vector.load %arg2[%get3A_89, %get3A_90] : memref<2048x8xf32, #tpu.memory_space<vmem>>, vector<128x8xf32>
    %dot_general3A_92 = arith.constant dense<0.000000e+00> : vector<128x2048xf32>
    %dot_general3A_93 = tpu.matmul %get3A_91, %get3A_3, %dot_general3A_92 {dimension_numbers = #tpu.dot_dimension_numbers<[1], [0], [0], [1], [0, 0, 1, 1], [], []>, precision = #tpu.contract_precision<fp32>, transpose_lhs_hint = false} : vector<128x8xf32>, vector<8x2048xf32>, vector<128x2048xf32> -> vector<128x2048xf32>
    %reduce_min3A_94 = arith.constant dense<0x7F800000> : vector<2048xf32>
    %reduce_min3A_95 = vector.multi_reduction <minimumf>, %dot_general3A_93, %reduce_min3A_94 [0] : vector<128x2048xf32> to vector<2048xf32>
    %broadcast_in_dim3A_96 = vector.shape_cast %reduce_min3A_95 : vector<2048xf32> to vector<1x2048xf32>
    %eq3A_97 = vector.broadcast %broadcast_in_dim3A_96 : vector<1x2048xf32> to vector<128x2048xf32>
    %eq3A_98 = arith.cmpf oeq, %dot_general3A_93, %eq3A_97 : vector<128x2048xf32>
    %jit3A_99 = arith.constant 1.000000e+09 : f32
    %broadcast_in_dim3A_100 = vector.broadcast %jit3A_99 : f32 to vector<128x2048xf32>
    %select_n3A_101 = arith.select %eq3A_98, %convert_element_type3A_4, %broadcast_in_dim3A_100 : vector<128x2048xi1>, vector<128x2048xf32>
    %reduce_min3A_102 = arith.constant dense<0x7F800000> : vector<2048xf32>
    %reduce_min3A_103 = vector.multi_reduction <minimumf>, %select_n3A_101, %reduce_min3A_102 [0] : vector<128x2048xf32> to vector<2048xf32>
    %add3A_104 = arith.constant 6.400000e+02 : f32
    %add3A_105 = vector.broadcast %add3A_104 : f32 to vector<2048xf32>
    %add3A_106 = arith.addf %reduce_min3A_103, %add3A_105 : vector<2048xf32>
    %get3A_107 = arith.constant 768 : index
    %get3A_108 = arith.constant 0 : index
    %get3A_109 = vector.load %arg2[%get3A_107, %get3A_108] : memref<2048x8xf32, #tpu.memory_space<vmem>>, vector<128x8xf32>
    %dot_general3A_110 = arith.constant dense<0.000000e+00> : vector<128x2048xf32>
    %dot_general3A_111 = tpu.matmul %get3A_109, %get3A_3, %dot_general3A_110 {dimension_numbers = #tpu.dot_dimension_numbers<[1], [0], [0], [1], [0, 0, 1, 1], [], []>, precision = #tpu.contract_precision<fp32>, transpose_lhs_hint = false} : vector<128x8xf32>, vector<8x2048xf32>, vector<128x2048xf32> -> vector<128x2048xf32>
    %reduce_min3A_112 = arith.constant dense<0x7F800000> : vector<2048xf32>
    %reduce_min3A_113 = vector.multi_reduction <minimumf>, %dot_general3A_111, %reduce_min3A_112 [0] : vector<128x2048xf32> to vector<2048xf32>
    %broadcast_in_dim3A_114 = vector.shape_cast %reduce_min3A_113 : vector<2048xf32> to vector<1x2048xf32>
    %eq3A_115 = vector.broadcast %broadcast_in_dim3A_114 : vector<1x2048xf32> to vector<128x2048xf32>
    %eq3A_116 = arith.cmpf oeq, %dot_general3A_111, %eq3A_115 : vector<128x2048xf32>
    %jit3A_117 = arith.constant 1.000000e+09 : f32
    %broadcast_in_dim3A_118 = vector.broadcast %jit3A_117 : f32 to vector<128x2048xf32>
    %select_n3A_119 = arith.select %eq3A_116, %convert_element_type3A_4, %broadcast_in_dim3A_118 : vector<128x2048xi1>, vector<128x2048xf32>
    %reduce_min3A_120 = arith.constant dense<0x7F800000> : vector<2048xf32>
    %reduce_min3A_121 = vector.multi_reduction <minimumf>, %select_n3A_119, %reduce_min3A_120 [0] : vector<128x2048xf32> to vector<2048xf32>
    %add3A_122 = arith.constant 7.680000e+02 : f32
    %add3A_123 = vector.broadcast %add3A_122 : f32 to vector<2048xf32>
    %add3A_124 = arith.addf %reduce_min3A_121, %add3A_123 : vector<2048xf32>
    %get3A_125 = arith.constant 896 : index
    %get3A_126 = arith.constant 0 : index
    %get3A_127 = vector.load %arg2[%get3A_125, %get3A_126] : memref<2048x8xf32, #tpu.memory_space<vmem>>, vector<128x8xf32>
    %dot_general3A_128 = arith.constant dense<0.000000e+00> : vector<128x2048xf32>
    %dot_general3A_129 = tpu.matmul %get3A_127, %get3A_3, %dot_general3A_128 {dimension_numbers = #tpu.dot_dimension_numbers<[1], [0], [0], [1], [0, 0, 1, 1], [], []>, precision = #tpu.contract_precision<fp32>, transpose_lhs_hint = false} : vector<128x8xf32>, vector<8x2048xf32>, vector<128x2048xf32> -> vector<128x2048xf32>
    %reduce_min3A_130 = arith.constant dense<0x7F800000> : vector<2048xf32>
    %reduce_min3A_131 = vector.multi_reduction <minimumf>, %dot_general3A_129, %reduce_min3A_130 [0] : vector<128x2048xf32> to vector<2048xf32>
    %broadcast_in_dim3A_132 = vector.shape_cast %reduce_min3A_131 : vector<2048xf32> to vector<1x2048xf32>
    %eq3A_133 = vector.broadcast %broadcast_in_dim3A_132 : vector<1x2048xf32> to vector<128x2048xf32>
    %eq3A_134 = arith.cmpf oeq, %dot_general3A_129, %eq3A_133 : vector<128x2048xf32>
    %jit3A_135 = arith.constant 1.000000e+09 : f32
    %broadcast_in_dim3A_136 = vector.broadcast %jit3A_135 : f32 to vector<128x2048xf32>
    %select_n3A_137 = arith.select %eq3A_134, %convert_element_type3A_4, %broadcast_in_dim3A_136 : vector<128x2048xi1>, vector<128x2048xf32>
    %reduce_min3A_138 = arith.constant dense<0x7F800000> : vector<2048xf32>
    %reduce_min3A_139 = vector.multi_reduction <minimumf>, %select_n3A_137, %reduce_min3A_138 [0] : vector<128x2048xf32> to vector<2048xf32>
    %add3A_140 = arith.constant 8.960000e+02 : f32
    %add3A_141 = vector.broadcast %add3A_140 : f32 to vector<2048xf32>
    %add3A_142 = arith.addf %reduce_min3A_139, %add3A_141 : vector<2048xf32>
    %get3A_143 = arith.constant 1024 : index
    %get3A_144 = arith.constant 0 : index
    %get3A_145 = vector.load %arg2[%get3A_143, %get3A_144] : memref<2048x8xf32, #tpu.memory_space<vmem>>, vector<128x8xf32>
    %dot_general3A_146 = arith.constant dense<0.000000e+00> : vector<128x2048xf32>
    %dot_general3A_147 = tpu.matmul %get3A_145, %get3A_3, %dot_general3A_146 {dimension_numbers = #tpu.dot_dimension_numbers<[1], [0], [0], [1], [0, 0, 1, 1], [], []>, precision = #tpu.contract_precision<fp32>, transpose_lhs_hint = false} : vector<128x8xf32>, vector<8x2048xf32>, vector<128x2048xf32> -> vector<128x2048xf32>
    %reduce_min3A_148 = arith.constant dense<0x7F800000> : vector<2048xf32>
    %reduce_min3A_149 = vector.multi_reduction <minimumf>, %dot_general3A_147, %reduce_min3A_148 [0] : vector<128x2048xf32> to vector<2048xf32>
    %broadcast_in_dim3A_150 = vector.shape_cast %reduce_min3A_149 : vector<2048xf32> to vector<1x2048xf32>
    %eq3A_151 = vector.broadcast %broadcast_in_dim3A_150 : vector<1x2048xf32> to vector<128x2048xf32>
    %eq3A_152 = arith.cmpf oeq, %dot_general3A_147, %eq3A_151 : vector<128x2048xf32>
    %jit3A_153 = arith.constant 1.000000e+09 : f32
    %broadcast_in_dim3A_154 = vector.broadcast %jit3A_153 : f32 to vector<128x2048xf32>
    %select_n3A_155 = arith.select %eq3A_152, %convert_element_type3A_4, %broadcast_in_dim3A_154 : vector<128x2048xi1>, vector<128x2048xf32>
    %reduce_min3A_156 = arith.constant dense<0x7F800000> : vector<2048xf32>
    %reduce_min3A_157 = vector.multi_reduction <minimumf>, %select_n3A_155, %reduce_min3A_156 [0] : vector<128x2048xf32> to vector<2048xf32>
    %add3A_158 = arith.constant 1.024000e+03 : f32
    %add3A_159 = vector.broadcast %add3A_158 : f32 to vector<2048xf32>
    %add3A_160 = arith.addf %reduce_min3A_157, %add3A_159 : vector<2048xf32>
    %get3A_161 = arith.constant 1152 : index
    %get3A_162 = arith.constant 0 : index
    %get3A_163 = vector.load %arg2[%get3A_161, %get3A_162] : memref<2048x8xf32, #tpu.memory_space<vmem>>, vector<128x8xf32>
    %dot_general3A_164 = arith.constant dense<0.000000e+00> : vector<128x2048xf32>
    %dot_general3A_165 = tpu.matmul %get3A_163, %get3A_3, %dot_general3A_164 {dimension_numbers = #tpu.dot_dimension_numbers<[1], [0], [0], [1], [0, 0, 1, 1], [], []>, precision = #tpu.contract_precision<fp32>, transpose_lhs_hint = false} : vector<128x8xf32>, vector<8x2048xf32>, vector<128x2048xf32> -> vector<128x2048xf32>
    %reduce_min3A_166 = arith.constant dense<0x7F800000> : vector<2048xf32>
    %reduce_min3A_167 = vector.multi_reduction <minimumf>, %dot_general3A_165, %reduce_min3A_166 [0] : vector<128x2048xf32> to vector<2048xf32>
    %broadcast_in_dim3A_168 = vector.shape_cast %reduce_min3A_167 : vector<2048xf32> to vector<1x2048xf32>
    %eq3A_169 = vector.broadcast %broadcast_in_dim3A_168 : vector<1x2048xf32> to vector<128x2048xf32>
    %eq3A_170 = arith.cmpf oeq, %dot_general3A_165, %eq3A_169 : vector<128x2048xf32>
    %jit3A_171 = arith.constant 1.000000e+09 : f32
    %broadcast_in_dim3A_172 = vector.broadcast %jit3A_171 : f32 to vector<128x2048xf32>
    %select_n3A_173 = arith.select %eq3A_170, %convert_element_type3A_4, %broadcast_in_dim3A_172 : vector<128x2048xi1>, vector<128x2048xf32>
    %reduce_min3A_174 = arith.constant dense<0x7F800000> : vector<2048xf32>
    %reduce_min3A_175 = vector.multi_reduction <minimumf>, %select_n3A_173, %reduce_min3A_174 [0] : vector<128x2048xf32> to vector<2048xf32>
    %add3A_176 = arith.constant 1.152000e+03 : f32
    %add3A_177 = vector.broadcast %add3A_176 : f32 to vector<2048xf32>
    %add3A_178 = arith.addf %reduce_min3A_175, %add3A_177 : vector<2048xf32>
    %get3A_179 = arith.constant 1280 : index
    %get3A_180 = arith.constant 0 : index
    %get3A_181 = vector.load %arg2[%get3A_179, %get3A_180] : memref<2048x8xf32, #tpu.memory_space<vmem>>, vector<128x8xf32>
    %dot_general3A_182 = arith.constant dense<0.000000e+00> : vector<128x2048xf32>
    %dot_general3A_183 = tpu.matmul %get3A_181, %get3A_3, %dot_general3A_182 {dimension_numbers = #tpu.dot_dimension_numbers<[1], [0], [0], [1], [0, 0, 1, 1], [], []>, precision = #tpu.contract_precision<fp32>, transpose_lhs_hint = false} : vector<128x8xf32>, vector<8x2048xf32>, vector<128x2048xf32> -> vector<128x2048xf32>
    %reduce_min3A_184 = arith.constant dense<0x7F800000> : vector<2048xf32>
    %reduce_min3A_185 = vector.multi_reduction <minimumf>, %dot_general3A_183, %reduce_min3A_184 [0] : vector<128x2048xf32> to vector<2048xf32>
    %broadcast_in_dim3A_186 = vector.shape_cast %reduce_min3A_185 : vector<2048xf32> to vector<1x2048xf32>
    %eq3A_187 = vector.broadcast %broadcast_in_dim3A_186 : vector<1x2048xf32> to vector<128x2048xf32>
    %eq3A_188 = arith.cmpf oeq, %dot_general3A_183, %eq3A_187 : vector<128x2048xf32>
    %jit3A_189 = arith.constant 1.000000e+09 : f32
    %broadcast_in_dim3A_190 = vector.broadcast %jit3A_189 : f32 to vector<128x2048xf32>
    %select_n3A_191 = arith.select %eq3A_188, %convert_element_type3A_4, %broadcast_in_dim3A_190 : vector<128x2048xi1>, vector<128x2048xf32>
    %reduce_min3A_192 = arith.constant dense<0x7F800000> : vector<2048xf32>
    %reduce_min3A_193 = vector.multi_reduction <minimumf>, %select_n3A_191, %reduce_min3A_192 [0] : vector<128x2048xf32> to vector<2048xf32>
    %add3A_194 = arith.constant 1.280000e+03 : f32
    %add3A_195 = vector.broadcast %add3A_194 : f32 to vector<2048xf32>
    %add3A_196 = arith.addf %reduce_min3A_193, %add3A_195 : vector<2048xf32>
    %get3A_197 = arith.constant 1408 : index
    %get3A_198 = arith.constant 0 : index
    %get3A_199 = vector.load %arg2[%get3A_197, %get3A_198] : memref<2048x8xf32, #tpu.memory_space<vmem>>, vector<128x8xf32>
    %dot_general3A_200 = arith.constant dense<0.000000e+00> : vector<128x2048xf32>
    %dot_general3A_201 = tpu.matmul %get3A_199, %get3A_3, %dot_general3A_200 {dimension_numbers = #tpu.dot_dimension_numbers<[1], [0], [0], [1], [0, 0, 1, 1], [], []>, precision = #tpu.contract_precision<fp32>, transpose_lhs_hint = false} : vector<128x8xf32>, vector<8x2048xf32>, vector<128x2048xf32> -> vector<128x2048xf32>
    %reduce_min3A_202 = arith.constant dense<0x7F800000> : vector<2048xf32>
    %reduce_min3A_203 = vector.multi_reduction <minimumf>, %dot_general3A_201, %reduce_min3A_202 [0] : vector<128x2048xf32> to vector<2048xf32>
    %broadcast_in_dim3A_204 = vector.shape_cast %reduce_min3A_203 : vector<2048xf32> to vector<1x2048xf32>
    %eq3A_205 = vector.broadcast %broadcast_in_dim3A_204 : vector<1x2048xf32> to vector<128x2048xf32>
    %eq3A_206 = arith.cmpf oeq, %dot_general3A_201, %eq3A_205 : vector<128x2048xf32>
    %jit3A_207 = arith.constant 1.000000e+09 : f32
    %broadcast_in_dim3A_208 = vector.broadcast %jit3A_207 : f32 to vector<128x2048xf32>
    %select_n3A_209 = arith.select %eq3A_206, %convert_element_type3A_4, %broadcast_in_dim3A_208 : vector<128x2048xi1>, vector<128x2048xf32>
    %reduce_min3A_210 = arith.constant dense<0x7F800000> : vector<2048xf32>
    %reduce_min3A_211 = vector.multi_reduction <minimumf>, %select_n3A_209, %reduce_min3A_210 [0] : vector<128x2048xf32> to vector<2048xf32>
    %add3A_212 = arith.constant 1.408000e+03 : f32
    %add3A_213 = vector.broadcast %add3A_212 : f32 to vector<2048xf32>
    %add3A_214 = arith.addf %reduce_min3A_211, %add3A_213 : vector<2048xf32>
    %get3A_215 = arith.constant 1536 : index
    %get3A_216 = arith.constant 0 : index
    %get3A_217 = vector.load %arg2[%get3A_215, %get3A_216] : memref<2048x8xf32, #tpu.memory_space<vmem>>, vector<128x8xf32>
    %dot_general3A_218 = arith.constant dense<0.000000e+00> : vector<128x2048xf32>
    %dot_general3A_219 = tpu.matmul %get3A_217, %get3A_3, %dot_general3A_218 {dimension_numbers = #tpu.dot_dimension_numbers<[1], [0], [0], [1], [0, 0, 1, 1], [], []>, precision = #tpu.contract_precision<fp32>, transpose_lhs_hint = false} : vector<128x8xf32>, vector<8x2048xf32>, vector<128x2048xf32> -> vector<128x2048xf32>
    %reduce_min3A_220 = arith.constant dense<0x7F800000> : vector<2048xf32>
    %reduce_min3A_221 = vector.multi_reduction <minimumf>, %dot_general3A_219, %reduce_min3A_220 [0] : vector<128x2048xf32> to vector<2048xf32>
    %broadcast_in_dim3A_222 = vector.shape_cast %reduce_min3A_221 : vector<2048xf32> to vector<1x2048xf32>
    %eq3A_223 = vector.broadcast %broadcast_in_dim3A_222 : vector<1x2048xf32> to vector<128x2048xf32>
    %eq3A_224 = arith.cmpf oeq, %dot_general3A_219, %eq3A_223 : vector<128x2048xf32>
    %jit3A_225 = arith.constant 1.000000e+09 : f32
    %broadcast_in_dim3A_226 = vector.broadcast %jit3A_225 : f32 to vector<128x2048xf32>
    %select_n3A_227 = arith.select %eq3A_224, %convert_element_type3A_4, %broadcast_in_dim3A_226 : vector<128x2048xi1>, vector<128x2048xf32>
    %reduce_min3A_228 = arith.constant dense<0x7F800000> : vector<2048xf32>
    %reduce_min3A_229 = vector.multi_reduction <minimumf>, %select_n3A_227, %reduce_min3A_228 [0] : vector<128x2048xf32> to vector<2048xf32>
    %add3A_230 = arith.constant 1.536000e+03 : f32
    %add3A_231 = vector.broadcast %add3A_230 : f32 to vector<2048xf32>
    %add3A_232 = arith.addf %reduce_min3A_229, %add3A_231 : vector<2048xf32>
    %get3A_233 = arith.constant 1664 : index
    %get3A_234 = arith.constant 0 : index
    %get3A_235 = vector.load %arg2[%get3A_233, %get3A_234] : memref<2048x8xf32, #tpu.memory_space<vmem>>, vector<128x8xf32>
    %dot_general3A_236 = arith.constant dense<0.000000e+00> : vector<128x2048xf32>
    %dot_general3A_237 = tpu.matmul %get3A_235, %get3A_3, %dot_general3A_236 {dimension_numbers = #tpu.dot_dimension_numbers<[1], [0], [0], [1], [0, 0, 1, 1], [], []>, precision = #tpu.contract_precision<fp32>, transpose_lhs_hint = false} : vector<128x8xf32>, vector<8x2048xf32>, vector<128x2048xf32> -> vector<128x2048xf32>
    %reduce_min3A_238 = arith.constant dense<0x7F800000> : vector<2048xf32>
    %reduce_min3A_239 = vector.multi_reduction <minimumf>, %dot_general3A_237, %reduce_min3A_238 [0] : vector<128x2048xf32> to vector<2048xf32>
    %broadcast_in_dim3A_240 = vector.shape_cast %reduce_min3A_239 : vector<2048xf32> to vector<1x2048xf32>
    %eq3A_241 = vector.broadcast %broadcast_in_dim3A_240 : vector<1x2048xf32> to vector<128x2048xf32>
    %eq3A_242 = arith.cmpf oeq, %dot_general3A_237, %eq3A_241 : vector<128x2048xf32>
    %jit3A_243 = arith.constant 1.000000e+09 : f32
    %broadcast_in_dim3A_244 = vector.broadcast %jit3A_243 : f32 to vector<128x2048xf32>
    %select_n3A_245 = arith.select %eq3A_242, %convert_element_type3A_4, %broadcast_in_dim3A_244 : vector<128x2048xi1>, vector<128x2048xf32>
    %reduce_min3A_246 = arith.constant dense<0x7F800000> : vector<2048xf32>
    %reduce_min3A_247 = vector.multi_reduction <minimumf>, %select_n3A_245, %reduce_min3A_246 [0] : vector<128x2048xf32> to vector<2048xf32>
    %add3A_248 = arith.constant 1.664000e+03 : f32
    %add3A_249 = vector.broadcast %add3A_248 : f32 to vector<2048xf32>
    %add3A_250 = arith.addf %reduce_min3A_247, %add3A_249 : vector<2048xf32>
    %get3A_251 = arith.constant 1792 : index
    %get3A_252 = arith.constant 0 : index
    %get3A_253 = vector.load %arg2[%get3A_251, %get3A_252] : memref<2048x8xf32, #tpu.memory_space<vmem>>, vector<128x8xf32>
    %dot_general3A_254 = arith.constant dense<0.000000e+00> : vector<128x2048xf32>
    %dot_general3A_255 = tpu.matmul %get3A_253, %get3A_3, %dot_general3A_254 {dimension_numbers = #tpu.dot_dimension_numbers<[1], [0], [0], [1], [0, 0, 1, 1], [], []>, precision = #tpu.contract_precision<fp32>, transpose_lhs_hint = false} : vector<128x8xf32>, vector<8x2048xf32>, vector<128x2048xf32> -> vector<128x2048xf32>
    %reduce_min3A_256 = arith.constant dense<0x7F800000> : vector<2048xf32>
    %reduce_min3A_257 = vector.multi_reduction <minimumf>, %dot_general3A_255, %reduce_min3A_256 [0] : vector<128x2048xf32> to vector<2048xf32>
    %broadcast_in_dim3A_258 = vector.shape_cast %reduce_min3A_257 : vector<2048xf32> to vector<1x2048xf32>
    %eq3A_259 = vector.broadcast %broadcast_in_dim3A_258 : vector<1x2048xf32> to vector<128x2048xf32>
    %eq3A_260 = arith.cmpf oeq, %dot_general3A_255, %eq3A_259 : vector<128x2048xf32>
    %jit3A_261 = arith.constant 1.000000e+09 : f32
    %broadcast_in_dim3A_262 = vector.broadcast %jit3A_261 : f32 to vector<128x2048xf32>
    %select_n3A_263 = arith.select %eq3A_260, %convert_element_type3A_4, %broadcast_in_dim3A_262 : vector<128x2048xi1>, vector<128x2048xf32>
    %reduce_min3A_264 = arith.constant dense<0x7F800000> : vector<2048xf32>
    %reduce_min3A_265 = vector.multi_reduction <minimumf>, %select_n3A_263, %reduce_min3A_264 [0] : vector<128x2048xf32> to vector<2048xf32>
    %add3A_266 = arith.constant 1.792000e+03 : f32
    %add3A_267 = vector.broadcast %add3A_266 : f32 to vector<2048xf32>
    %add3A_268 = arith.addf %reduce_min3A_265, %add3A_267 : vector<2048xf32>
    %get3A_269 = arith.constant 1920 : index
    %get3A_270 = arith.constant 0 : index
    %get3A_271 = vector.load %arg2[%get3A_269, %get3A_270] : memref<2048x8xf32, #tpu.memory_space<vmem>>, vector<128x8xf32>
    %dot_general3A_272 = arith.constant dense<0.000000e+00> : vector<128x2048xf32>
    %dot_general3A_273 = tpu.matmul %get3A_271, %get3A_3, %dot_general3A_272 {dimension_numbers = #tpu.dot_dimension_numbers<[1], [0], [0], [1], [0, 0, 1, 1], [], []>, precision = #tpu.contract_precision<fp32>, transpose_lhs_hint = false} : vector<128x8xf32>, vector<8x2048xf32>, vector<128x2048xf32> -> vector<128x2048xf32>
    %reduce_min3A_274 = arith.constant dense<0x7F800000> : vector<2048xf32>
    %reduce_min3A_275 = vector.multi_reduction <minimumf>, %dot_general3A_273, %reduce_min3A_274 [0] : vector<128x2048xf32> to vector<2048xf32>
    %broadcast_in_dim3A_276 = vector.shape_cast %reduce_min3A_275 : vector<2048xf32> to vector<1x2048xf32>
    %eq3A_277 = vector.broadcast %broadcast_in_dim3A_276 : vector<1x2048xf32> to vector<128x2048xf32>
    %eq3A_278 = arith.cmpf oeq, %dot_general3A_273, %eq3A_277 : vector<128x2048xf32>
    %jit3A_279 = arith.constant 1.000000e+09 : f32
    %broadcast_in_dim3A_280 = vector.broadcast %jit3A_279 : f32 to vector<128x2048xf32>
    %select_n3A_281 = arith.select %eq3A_278, %convert_element_type3A_4, %broadcast_in_dim3A_280 : vector<128x2048xi1>, vector<128x2048xf32>
    %reduce_min3A_282 = arith.constant dense<0x7F800000> : vector<2048xf32>
    %reduce_min3A_283 = vector.multi_reduction <minimumf>, %select_n3A_281, %reduce_min3A_282 [0] : vector<128x2048xf32> to vector<2048xf32>
    %add3A_284 = arith.constant 1.920000e+03 : f32
    %add3A_285 = vector.broadcast %add3A_284 : f32 to vector<2048xf32>
    %add3A_286 = arith.addf %reduce_min3A_283, %add3A_285 : vector<2048xf32>
    %lt3A = arith.cmpf olt, %reduce_min3A_23, %reduce_min3A_9 : vector<2048xf32>
    %select_n3A_287 = arith.select %lt3A, %add3A_34, %add3A_16 : vector<2048xi1>, vector<2048xf32>
    %min3A = arith.minimumf %reduce_min3A_9, %reduce_min3A_23 : vector<2048xf32>
    %lt3A_288 = arith.cmpf olt, %reduce_min3A_41, %min3A : vector<2048xf32>
    %select_n3A_289 = arith.select %lt3A_288, %add3A_52, %select_n3A_287 : vector<2048xi1>, vector<2048xf32>
    %min3A_290 = arith.minimumf %min3A, %reduce_min3A_41 : vector<2048xf32>
    %lt3A_291 = arith.cmpf olt, %reduce_min3A_59, %min3A_290 : vector<2048xf32>
    %select_n3A_292 = arith.select %lt3A_291, %add3A_70, %select_n3A_289 : vector<2048xi1>, vector<2048xf32>
    %min3A_293 = arith.minimumf %min3A_290, %reduce_min3A_59 : vector<2048xf32>
    %lt3A_294 = arith.cmpf olt, %reduce_min3A_77, %min3A_293 : vector<2048xf32>
    %select_n3A_295 = arith.select %lt3A_294, %add3A_88, %select_n3A_292 : vector<2048xi1>, vector<2048xf32>
    %min3A_296 = arith.minimumf %min3A_293, %reduce_min3A_77 : vector<2048xf32>
    %lt3A_297 = arith.cmpf olt, %reduce_min3A_95, %min3A_296 : vector<2048xf32>
    %select_n3A_298 = arith.select %lt3A_297, %add3A_106, %select_n3A_295 : vector<2048xi1>, vector<2048xf32>
    %min3A_299 = arith.minimumf %min3A_296, %reduce_min3A_95 : vector<2048xf32>
    %lt3A_300 = arith.cmpf olt, %reduce_min3A_113, %min3A_299 : vector<2048xf32>
    %select_n3A_301 = arith.select %lt3A_300, %add3A_124, %select_n3A_298 : vector<2048xi1>, vector<2048xf32>
    %min3A_302 = arith.minimumf %min3A_299, %reduce_min3A_113 : vector<2048xf32>
    %lt3A_303 = arith.cmpf olt, %reduce_min3A_131, %min3A_302 : vector<2048xf32>
    %select_n3A_304 = arith.select %lt3A_303, %add3A_142, %select_n3A_301 : vector<2048xi1>, vector<2048xf32>
    %min3A_305 = arith.minimumf %min3A_302, %reduce_min3A_131 : vector<2048xf32>
    %lt3A_306 = arith.cmpf olt, %reduce_min3A_149, %min3A_305 : vector<2048xf32>
    %select_n3A_307 = arith.select %lt3A_306, %add3A_160, %select_n3A_304 : vector<2048xi1>, vector<2048xf32>
    %min3A_308 = arith.minimumf %min3A_305, %reduce_min3A_149 : vector<2048xf32>
    %lt3A_309 = arith.cmpf olt, %reduce_min3A_167, %min3A_308 : vector<2048xf32>
    %select_n3A_310 = arith.select %lt3A_309, %add3A_178, %select_n3A_307 : vector<2048xi1>, vector<2048xf32>
    %min3A_311 = arith.minimumf %min3A_308, %reduce_min3A_167 : vector<2048xf32>
    %lt3A_312 = arith.cmpf olt, %reduce_min3A_185, %min3A_311 : vector<2048xf32>
    %select_n3A_313 = arith.select %lt3A_312, %add3A_196, %select_n3A_310 : vector<2048xi1>, vector<2048xf32>
    %min3A_314 = arith.minimumf %min3A_311, %reduce_min3A_185 : vector<2048xf32>
    %lt3A_315 = arith.cmpf olt, %reduce_min3A_203, %min3A_314 : vector<2048xf32>
    %select_n3A_316 = arith.select %lt3A_315, %add3A_214, %select_n3A_313 : vector<2048xi1>, vector<2048xf32>
    %min3A_317 = arith.minimumf %min3A_314, %reduce_min3A_203 : vector<2048xf32>
    %lt3A_318 = arith.cmpf olt, %reduce_min3A_221, %min3A_317 : vector<2048xf32>
    %select_n3A_319 = arith.select %lt3A_318, %add3A_232, %select_n3A_316 : vector<2048xi1>, vector<2048xf32>
    %min3A_320 = arith.minimumf %min3A_317, %reduce_min3A_221 : vector<2048xf32>
    %lt3A_321 = arith.cmpf olt, %reduce_min3A_239, %min3A_320 : vector<2048xf32>
    %select_n3A_322 = arith.select %lt3A_321, %add3A_250, %select_n3A_319 : vector<2048xi1>, vector<2048xf32>
    %min3A_323 = arith.minimumf %min3A_320, %reduce_min3A_239 : vector<2048xf32>
    %lt3A_324 = arith.cmpf olt, %reduce_min3A_257, %min3A_323 : vector<2048xf32>
    %select_n3A_325 = arith.select %lt3A_324, %add3A_268, %select_n3A_322 : vector<2048xi1>, vector<2048xf32>
    %min3A_326 = arith.minimumf %min3A_323, %reduce_min3A_257 : vector<2048xf32>
    %lt3A_327 = arith.cmpf olt, %reduce_min3A_275, %min3A_326 : vector<2048xf32>
    %select_n3A_328 = arith.select %lt3A_327, %add3A_286, %select_n3A_325 : vector<2048xi1>, vector<2048xf32>
    %min3A_329 = arith.minimumf %min3A_326, %reduce_min3A_275 : vector<2048xf32>
    %convert_element_type3A_330 = arith.fptosi %select_n3A_328 : vector<2048xf32> to vector<2048xi32>
    %mul3A = arith.constant 2048 : i32
    %mul3A_331 = arith.muli %arg1, %mul3A : i32
    %add3A_332 = vector.broadcast %mul3A_331 : i32 to vector<2048xi32>
    %add3A_333 = arith.addi %convert_element_type3A_330, %add3A_332 : vector<2048xi32>
    %get3A_334 = arith.constant 0 : index
    %get3A_335 = vector.load %arg5[%get3A_334] : memref<2048xf32, #tpu.memory_space<vmem>>, vector<2048xf32>
    %lt3A_336 = arith.cmpf olt, %min3A_329, %get3A_335 : vector<2048xf32>
    %select_n3A_337 = arith.select %lt3A_336, %min3A_329, %get3A_335 : vector<2048xi1>, vector<2048xf32>
    %swap3A = arith.constant 0 : index
    %swap3A_338 = vector.load %arg5[%swap3A] : memref<2048xf32, #tpu.memory_space<vmem>>, vector<2048xf32>
    tpu.vector_store %arg5[%swap3A], %select_n3A_337 {strides = array<i32>} : memref<2048xf32, #tpu.memory_space<vmem>>, vector<2048xf32>,
    %get3A_339 = arith.constant 0 : index
    %get3A_340 = vector.load %arg6[%get3A_339] : memref<2048xi32, #tpu.memory_space<vmem>>, vector<2048xi32>
    %select_n3A_341 = arith.select %lt3A_336, %add3A_333, %get3A_340 : vector<2048xi1>, vector<2048xi32>
    %swap3A_342 = arith.constant 0 : index
    %swap3A_343 = vector.load %arg6[%swap3A_342] : memref<2048xi32, #tpu.memory_space<vmem>>, vector<2048xi32>
    tpu.vector_store %arg6[%swap3A_342], %select_n3A_341 {strides = array<i32>} : memref<2048xi32, #tpu.memory_space<vmem>>, vector<2048xi32>,
    %eq3A_344 = arith.constant 7 : i32
    %eq3A_345 = arith.cmpi eq, %arg1, %eq3A_344 : i32
    %convert_element_type3A_346 = arith.extui %eq3A_345 : i1 to i32
    %cond3A_347 = arith.constant 0 : i32
    %cond3A_348 = arith.cmpi ne, %convert_element_type3A_346, %cond3A_347 : i32
    scf.if %cond3A_348 {
      %get3A_349 = arith.constant 0 : index
      %get3A_350 = vector.load %arg6[%get3A_349] : memref<2048xi32, #tpu.memory_space<vmem>>, vector<2048xi32>
      %swap3A_351 = arith.constant 0 : index
      %swap3A_352 = vector.load %arg4[%swap3A_351] : memref<2048xi32, #tpu.memory_space<vmem>>, vector<2048xi32>
      tpu.vector_store %arg4[%swap3A_351], %get3A_350 {strides = array<i32>} : memref<2048xi32, #tpu.memory_space<vmem>>, vector<2048xi32>,
    } else {
    }
    return
  }
  func.func @transform_0(%arg0: i32, %arg1: i32) -> (i32, i32) {
    %c0_i32 = arith.constant 0 : i32
    %c0_i32_0 = arith.constant 0 : i32
    return %arg1, %c0_i32 : i32, i32
  }
  func.func @transform_1(%arg0: i32, %arg1: i32) -> (i32, i32) {
    %c0_i32 = arith.constant 0 : i32
    %c0_i32_0 = arith.constant 0 : i32
    return %c0_i32, %arg0 : i32, i32
  }
  func.func @transform_2(%arg0: i32, %arg1: i32) -> i32 {
    %c0_i32 = arith.constant 0 : i32
    return %arg0 : i32
  }
}

</mosaic_0001>

<sc_bundles>
// kernel: kernel.4.cloned.1.call-start
scs
__scs_entry_jumppad:
0x0: {  	(pc) =	sbr.rel $0x88, $3  }
0x1: {  	(tag) =	ssettag $0x0;
	lr =	simm.s32 $0x1  }
0x2: {  	[smem:$0x3F9F] =	sst lr;
	_ =	strace $0xD0000000  }
0x3: {  	_ = 	snop  }
0x4: {  	_ = 	snop  }
0x5: {  	_ = 	snop  }
0x6: {  	_ = 	snop  }
0x7: {  	_ = 	snop  }
__scs_overlays_trampoline_lowered:
0x8: {  	[smem:$0x3FAE] =	sst s0  }
0x9: {  	[smem:$0x3FAF] =	sst s1  }
0xa: {  	[smem:$0x3FB0] =	sst s2  }
0xb: {  	[smem:$0x3FB1] =	sst s3  }
0xc: {  	[smem:$0x3FB2] =	sst s4  }
0xd: {  	[smem:$0x3FB3] =	sst s5  }
0xe: {  	[smem:$0x3FB4] =	sst s6  }
0xf: {  	[smem:$0x3FB5] =	sst s7  }
0x10: {  	[smem:$0x3FB6] =	sst s8  }
0x11: {  	[smem:$0x3FB7] =	sst s9;
	s0 =	simm.s32 @!p0 $0x0  }
0x12: {  	s1 =	sld [smem:$0x3F9D];
	s0 =	simm.s32 @p0 $0x1  }
0x13: {  	[smem:$0x3FB8] =	sst s0;
	s0 =	simm.s32 @!p1 $0x0  }
0x14: {  	s2 =	sld [smem:$0x3F9C];
	s0 =	simm.s32 @p1 $0x1  }
0x15: {  	[smem:$0x3FB9] =	sst s0;
	s0 =	simm.s32 @!p2 $0x0  }
0x16: {  	s3 =	sld [smem:$0x3FDB];
	s0 =	simm.s32 @p2 $0x1  }
0x17: {  	s4 =	simm.s32 $0x1BF5;
	[smem:$0x3FBB] =	sst s0  }
0x18: {  	s0 =	sld [smem:$0x3F9E];
	_ =	swait.ge [sflag:s4], $0x0  }
0x19: {  	s7 =	sld [smem:$0x3F9F]  }
0x1a: {  	s8 =	sadd.s32 $0xFFFFE003, lr  }
0x1b: {  	s9 =	sadd.s32 $0xFFFFFEF7, lr;
	s5 =	simm.s32 $0xFFFFFFFF;
	p2 =	slt.u32 s8, $0xFFFFF086  }
0x1c: {  	p1 =	slt.u32 s9, $0xF7A;
	s5 =	simm.s32 @!p2 $0x0  }
0x1d: {  	s5 =	simm.s32 @p1 $0x1;
	p0 =	seq.s32 s7, s2  }
0x1e: {  	s7 =	smul.u32 @!p0 $0xF7A, s2;
	p2 =	seq.s32 @!p0 s5, $0x0  }
0x1f: {  	s9 =	smul.u32 $0xF7A, s1;
	s8 =	simm.s32 @!p0 $0x1BF5;
	p2 =	por !p2, p0  }
0x20: {  	[sflag:s8] =	ssyncset.s32 @!p0 $0xFFFFF086;
	s6 =	sadd.s32 @!p0 s3, s7;
	s7 =	simm.s32 @!p0 $0x108  }
0x21: {  	s3 =	sadd.s32 s3, s9;
	s6 =	sadd.s32 @!p0 $0x88, s6;
	s7 =	simm.s32 @p2 $0x1082  }
0x22: {  	[simem:s7], [sflag:s8] =	dma.local @!p0 [hbm:s6], $0xF7A  }
0x23: {  	s9 =	sor.u32 $0xD0000000, s2;
	s6 =	simm.s32 $0x108;
	_ =	swait.ge @!p0 [sflag:s8], $0x0  }
0x24: {  	s3 =	sadd.s32 $0x88, s3;
	s6 =	simm.s32 @!p1 $0x1082;
	[sflag:s4] =	ssyncset.s32 $0xFFFFF086  }
0x25: {  	[simem:s6], [sflag:s4] =	dma.local [hbm:s3], $0xF7A  }
0x26: {  	[smem:$0x3F9F] =	sst s1;
	(tag) =	ssettag s2;
	_ =	strace s9  }
0x27: {  	s1 =	sld [smem:$0x3FAF]  }
0x28: {  	s2 =	sld [smem:$0x3FB0]  }
0x29: {  	s4 =	sld [smem:$0x3FB2]  }
0x2a: {  	p0 =	seq.s32 s5, $0x0;
	s5 =	sld [smem:$0x3FB3]  }
0x2b: {  	s6 =	sld [smem:$0x3FB4]  }
0x2c: {  	s7 =	sld [smem:$0x3FB5]  }
0x2d: {  	s3 =	simm.s32 $0x108;
	s8 =	sld [smem:$0x3FB6]  }
0x2e: {  	s3 =	simm.s32 @!p0 $0x1082;
	s9 =	sld [smem:$0x3FB7]  }
0x2f: {  	lr =	sadd.s32 s0, s3;
	s0 =	sld [smem:$0x3FAE]  }
0x30: {  	s3 =	sld [smem:$0x3FB1]  }
0x31: {  	[smem:$0x3FBA] =	sst s10  }
0x32: {  	s10 =	sld [smem:$0x3FB8];
	_ =	sdelay $0x3  }
0x33: {  	p0 =	seq.s32 s10, $0x1;
	s10 =	sld [smem:$0x3FBA];
	_ =	sdelay $0x3  }
0x34: {  	[smem:$0x3FBA] =	sst s10  }
0x35: {  	s10 =	sld [smem:$0x3FB9];
	_ =	sdelay $0x3  }
0x36: {  	p1 =	seq.s32 s10, $0x1;
	s10 =	sld [smem:$0x3FBA];
	_ =	sdelay $0x3  }
0x37: {  	[smem:$0x3FBA] =	sst s10  }
0x38: {  	s10 =	sld [smem:$0x3FBB]  }
0x39: {  	_ = 	snop;
	(pc) =	sbr.ind lr, $3  }
0x3a: {  	_ = 	snop  }
0x3b: {  	_ = 	snop  }
0x3c: {  	p2 =	seq.s32 s10, $0x1;
	s10 =	sld [smem:$0x3FBA]  }
0x3d: {  	_ =	shalt  }
0x3e: {  	_ =	shalt  }
0x3f: {  	_ =	shalt  }
0x40: {  	_ =	shalt  }
0x41: {  	_ =	shalt  }
0x42: {  	_ =	shalt  }
0x43: {  	_ =	shalt  }
0x44: {  	_ =	shalt  }
0x45: {  	_ =	shalt  }
0x46: {  	_ =	shalt  }
0x47: {  	_ =	shalt  }
0x48: {  	_ =	shalt  }
0x49: {  	_ =	shalt  }
0x4a: {  	_ =	shalt  }
0x4b: {  	_ =	shalt  }
0x4c: {  	_ =	shalt  }
0x4d: {  	_ =	shalt  }
0x4e: {  	_ =	shalt  }
0x4f: {  	_ =	shalt  }
0x50: {  	_ =	shalt  }
0x51: {  	_ =	shalt  }
0x52: {  	_ =	shalt  }
0x53: {  	_ =	shalt  }
0x54: {  	_ =	shalt  }
0x55: {  	_ =	shalt  }
0x56: {  	_ =	shalt  }
0x57: {  	_ =	shalt  }
0x58: {  	_ =	shalt  }
0x59: {  	_ =	shalt  }
0x5a: {  	_ =	shalt  }
0x5b: {  	_ =	shalt  }
0x5c: {  	_ =	shalt  }
0x5d: {  	_ =	shalt  }
0x5e: {  	_ =	shalt  }
0x5f: {  	_ =	shalt  }
0x60: {  	_ =	shalt  }
0x61: {  	_ =	shalt  }
0x62: {  	_ =	shalt  }
0x63: {  	_ =	shalt  }
0x64: {  	_ =	shalt  }
0x65: {  	_ =	shalt  }
0x66: {  	_ =	shalt  }
0x67: {  	_ =	shalt  }
0x68: {  	_ =	shalt  }
0x69: {  	_ =	shalt  }
0x6a: {  	_ =	shalt  }
0x6b: {  	_ =	shalt  }
0x6c: {  	_ =	shalt  }
0x6d: {  	_ =	shalt  }
0x6e: {  	_ =	shalt  }
0x6f: {  	_ =	shalt  }
0x70: {  	_ =	shalt  }
0x71: {  	_ =	shalt  }
0x72: {  	_ =	shalt  }
0x73: {  	_ =	shalt  }
0x74: {  	_ =	shalt  }
0x75: {  	_ =	shalt  }
0x76: {  	_ =	shalt  }
0x77: {  	_ =	shalt  }
0x78: {  	_ =	shalt  }
0x79: {  	_ =	shalt  }
0x7a: {  	_ =	shalt  }
0x7b: {  	_ =	shalt  }
0x7c: {  	_ =	shalt  }
0x7d: {  	_ =	shalt  }
0x7e: {  	_ =	shalt  }
0x7f: {  	_ =	shalt  }
0x80: {  	_ =	shalt  }
0x81: {  	_ =	shalt  }
0x82: {  	_ =	shalt  }
0x83: {  	_ =	shalt  }
0x84: {  	_ =	shalt  }
0x85: {  	_ =	shalt  }
0x86: {  	_ =	shalt  }
0x87: {  	_ =	shalt  }
.Lfunc_end0:
.L_simem_size_0:
called_computation_lowered:
.L_overlay_start_0:
0x88: {  	s2 =	sld [smem:$0x3FD9]  }
0x89: {  	s3 =	sld [smem:$0x3FFE];
	_ =	sdelay $0x1  }
0x8a: {  	s1 =	srdreg.scid  }
0x8b: {  	s0 =	sand.u32 $0x1, s1  }
0x8c: {  	s17 =	sshll.u32 s0, $0xA;
	s2 =	sadd.s32 s3, s2  }
0x8d: {  	s2 =	sadd.s32 s2, s17  }
0x8e: {  	[smem:$0x3FC6] =	sst s2  }
0x8f: {  	_ = 	snop  }
0x90: {  	s2 =	sld [smem:$0x3FD0];
	(tm) =	ssettm $0x1  }
0x91: {  	s18 =	sld [smem:$0x3FFB];
	_ =	sdelay $0x3  }
0x92: {  	_ =	strace s18  }
0x93: {  	s3 =	sld [smem:$0x3FFC];
	_ =	sdelay $0x3  }
0x94: {  	_ =	strace s3  }
0x95: {  	s3 =	sld [smem:$0x3FFD];
	_ =	sdelay $0x3  }
0x96: {  	_ =	strace s3  }
0x97: {  	_ =	strace $0x8FFFFFFF  }
0x98: {  	s19 =	sld [smem:$0x3FDB];
	_ =	sdelay $0x1  }
0x99: {  	s4 =	simm.s32 $_scs_section_size  }
0x9a: {  	s5 =	simm.s32 $_size__tile_overlayer_lowered;
	s6 =	simm.s32 $_tile_overlayer_lowered  }
0x9b: {  	s22 =	simm.s32 $0x1BFF;
	s21 =	sshll.u32 s6, $0x1;
	s3 =	sadd.s32 s4, s19  }
0x9c: {  	s7 =	simm.s32 $0x0;
	s20 =	sshll.u32 s5, $0x1;
	s5 =	sadd.s32 s21, s3  }
0x9d: {  	[timem:s7], [sflag:s22] =	dma.local [hbm:s5], s20  }
0x9e: {  	_ =	swait.ge [sflag:s22], s20  }
0x9f: {  	s4 =	ssub.s32 $0x0, s20;
	[sflag:s22] =	ssyncset.done $0x0  }
0xa0: {  	[sflag:s22] =	ssyncadd.s32 s4;
	_ =	sdelay $0x1  }
0xa1: {  	s23 =	simm.s32 $0x1B8B  }
0xa2: {  	_ =	swait.ge [sflag:s23], $0x1  }
0xa3: {  	[sflag:s23] =	ssyncset.done $0x0  }
0xa4: {  	s25 =	simm.s32 $0x1B8E;
	s24 =	sld [smem:$0x3FFE];
	[sflag:s23] =	ssyncadd.s32 $0xFFFFFFFF  }
0xa5: {  	s26 =	simm.s32 $execute0_lowered;
	[smem:$0x3FD2] =	sst s25  }
0xa6: {  	s5 =	sshll.u32 s26, $0x1;
	_ =	strace $0x80000046;
	[dreg:$0x1] =	wrdreg $0xFFFFFFFF  }
0xa7: {  	s28 =	simm.s32 $_size_execute0_lowered;
	s3 =	sadd.s32 s3, s5;
	[dreg:$0x0] =	wrdreg $0x0  }
0xa8: {  	s5 =	sshll.u32 s28, $0x1;
	[dreg:$0x2] =	wrdreg s3  }
0xa9: {  	[dreg:$0x3] =	wrdreg s5  }
0xaa: {  	[dreg:$0x4] =	wrdreg $0xC0  }
0xab: {  	_ =	task [dreg:s7], $0x5FFFF  }
0xac: {  	[dreg:$0x1] =	wrdreg $0xFFFFFFFF  }
0xad: {  	[dreg:$0x0] =	wrdreg $0x60  }
0xae: {  	[dreg:$0x2] =	wrdreg s24  }
0xaf: {  	[dreg:$0x3] =	wrdreg s2  }
0xb0: {  	[dreg:$0x4] =	wrdreg $0x4800  }
0xb1: {  	[dreg:$0x5] =	wrdreg $0x9  }
0xb2: {  	_ =	task.clear_ibuf [dreg:s7], $0x6FFFF;
	_ =	strace $0x90000046  }
0xb3: {  	s29 =	simm.s32 $0x9;
	_ =	strace $0x80000048  }
0xb4: {  	_ =	swait.ge [sflag:s29], $0x1  }
0xb5: {  	[sflag:s29] =	ssyncadd.s32 $0xFFFFFFFF  }
0xb6: {  	_ =	strace $0x90000048  }
0xb7: {  	_ =	sfence  }
0xb8: {  	s30 =	sld [smem:$0x0];
	_ =	sdelay $0x2  }
0xb9: {  	s31 =	sshll.u32 s1, $0xD;
	s1 =	sshrl.u32 s1, $0x2  }
0xba: {  	s3 =	sand.u32 $0x4000, s31;
	s1 =	sadd.s32 s1, s30  }
0xbb: {  	s0 =	sor.u32 s3, s0;
	s1 =	sshll.u32 s1, $0x11  }
0xbc: {  	s0 =	sor.u32 s1, s0  }
0xbd: {  	s0 =	sadd.s32 $0x8F2B, s0  }
0xbe: {  	[sflag:s0] =	ssyncadd.remote.s32 $0x1  }
0xbf: {  	_ =	sfence.sel $0xFFFF  }
0xc0: {  	[dreg:$0x0] =	wrdreg $0xFFFFFFFF;
	(pc) =	sbr.abs _section_cstart, $3  }
0xc1: {  	[dreg:$0x1] =	wrdreg $0xFFFFFFFF  }
0xc2: {  	_ =	task.clear_ibuf [dreg:s7], $0x2FFFF;
	_ =	strace $0x9FFFFFFF  }
0xc3: {  	(tm) =	ssettm $0x7FFFFFFF  }
tec
execute0_lowered:
.L_overlay_start_1:
0x0: {  	(tag) =	ssettag $0x1  }
0x1: {  	s16 =	rddreg [dreg:$0x0]  }
0x2: {  	s4 =	rddreg [dreg:$0x1]  }
0x3: {  	s5 =	rddreg [dreg:$0x2];
	s6 =	simm.s32 $0x0  }
0x4: {  	s7 =	stileid.u32;
	[smem:$0x7FF] =	sst s6  }
0x5: {  	s0 =	rddreg [dreg:$0x3];
	p0 =	sne.s32 s7, $0x0;
	_ =	strace $0x80000047  }
0x6: {  	s2 =	sshrl.u32 @!p0 s5, $0x3;
	s3 =	simm.s32 @!p0 $0x1C01;
	s1 =	simm.s32 @!p0 $0x1  }
0x7: {  	[spmem:s2], [sflag:s3] =	dma.local @!p0 [hbm:s4], $0x800  }
0x8: {  	_ =	swait.ge @!p0 [sflag:s1], $0x800  }
0x9: {  	[sflag:s1] =	ssyncset.done @!p0 $0x0  }
0xa: {  	v0 =	vimm.f32 $1.000000000e+00;
	[sflag:s1] =	ssyncadd.s32 @!p0 $0xFFFFF800  }
0xb: {  	[tilespmem:$0x470] =	vst v0  }
0xc: {  	[tilespmem:$0x460] =	vst v0  }
0xd: {  	[tilespmem:$0x450] =	vst v0  }
0xe: {  	s8 =	srdreg.scid;
	[tilespmem:$0x440] =	vst v0  }
0xf: {  	s7 =	sshll.u32 s7, $0x7;
	s17 =	sand.u32 $0x1, s8;
	[tilespmem:$0x430] =	vst v0  }
0x10: {  	s7 =	sadd.s32 s7, s16;
	s8 =	sshll.u32 s17, $0xB;
	[tilespmem:$0x420] =	vst v0  }
0x11: {  	s7 =	sadd.s32 s8, s7;
	[tilespmem:$0x400] =	vst v0  }
0x12: {  	s8 =	sadd.s32 $0x400, s7;
	s7 =	simm.s32 $0x1;
	[tilespmem:$0x410] =	vst v0  }
0x13: {  	[tilespmem:s6], [sflag:$0x1] =	stream.linear.gather [hbm4b:s8+s6], $0x400, $0x38;
	[tilespmem:$0x880] =	vst v63  }
0x14: {  	_ =	swait.ge [sflag:s7], $0x400  }
0x15: {  	[sflag:s7] =	ssyncset.done $0x0  }
0x16: {  	[sflag:s7] =	ssyncadd.s32 $0xFFFFFC00  }
0x17: {  	s9 =	simm.s32 $0x80;
	s10 =	simm.s32 $0x400;
	[bflag:$0x0] =	sbarrier.arrive $0xFFFF  }
0x18: {  	[spmem:s5] =	stream.indirect.scatter.add.f32 [tilespmem:s10], [sflag:$0x1], $0x1, s6, s9, $0xb8;
	[tilespmem:$0x880] =	vst v63  }
0x19: {  	_ =	swait.ge [sflag:s7], $0x80  }
0x1a: {  	[sflag:s7] =	ssyncset.done $0x0  }
0x1b: {  	[sflag:s7] =	ssyncadd.s32 $0xFFFFFF80  }
0x1c: {  	[spmem:s5] =	stream.indirect.scatter.add.f32 [tilespmem:s10], [sflag:$0x1], $0x1, s9, s9, $0xb8;
	[tilespmem:$0x880] =	vst v63  }
0x1d: {  	_ =	swait.ge [sflag:s7], $0x80  }
0x1e: {  	[sflag:s7] =	ssyncset.done $0x0  }
0x1f: {  	s11 =	simm.s32 $0x100;
	[sflag:s7] =	ssyncadd.s32 $0xFFFFFF80  }
0x20: {  	[spmem:s5] =	stream.indirect.scatter.add.f32 [tilespmem:s10], [sflag:$0x1], $0x1, s11, s9, $0xb8;
	[tilespmem:$0x880] =	vst v63  }
0x21: {  	_ =	swait.ge [sflag:s7], $0x80  }
0x22: {  	[sflag:s7] =	ssyncset.done $0x0  }
0x23: {  	s12 =	simm.s32 $0x180;
	[sflag:s7] =	ssyncadd.s32 $0xFFFFFF80  }
0x24: {  	[spmem:s5] =	stream.indirect.scatter.add.f32 [tilespmem:s10], [sflag:$0x1], $0x1, s12, s9, $0xb8;
	[tilespmem:$0x880] =	vst v63  }
0x25: {  	_ =	swait.ge [sflag:s7], $0x80  }
0x26: {  	[sflag:s7] =	ssyncset.done $0x0  }
0x27: {  	s13 =	simm.s32 $0x200;
	[sflag:s7] =	ssyncadd.s32 $0xFFFFFF80  }
0x28: {  	[spmem:s5] =	stream.indirect.scatter.add.f32 [tilespmem:s10], [sflag:$0x1], $0x1, s13, s9, $0xb8;
	[tilespmem:$0x880] =	vst v63  }
0x29: {  	s18 =	ssub.s32 $0x2, s17;
	_ =	swait.ge [sflag:s7], $0x80  }
0x2a: {  	s19 =	sshrl.u32 s18, $0x1;
	[sflag:s7] =	ssyncset.done $0x0  }
0x2b: {  	s14 =	simm.s32 $0x280;
	s18 =	ssub.s32 s18, s19;
	[sflag:s7] =	ssyncadd.s32 $0xFFFFFF80  }
0x2c: {  	[spmem:s5] =	stream.indirect.scatter.add.f32 [tilespmem:s10], [sflag:$0x1], $0x1, s14, s9, $0xb8;
	[tilespmem:$0x880] =	vst v63  }
0x2d: {  	s18 =	smax.u32 s18, $0x1;
	_ =	swait.ge [sflag:s7], $0x80  }
0x2e: {  	s18 =	sadd.s32 $0xFFFFFFFF, s18;
	[sflag:s7] =	ssyncset.done $0x0  }
0x2f: {  	s15 =	simm.s32 $0x300;
	p1 =	sne.s32 s18, $0x0;
	[sflag:s7] =	ssyncadd.s32 $0xFFFFFF80  }
0x30: {  	[spmem:s5] =	stream.indirect.scatter.add.f32 [tilespmem:s10], [sflag:$0x1], $0x1, s15, s9, $0xb8;
	[tilespmem:$0x880] =	vst v63  }
.Ltmp0:
0x31: {  	_ = 	snop;
	(pc) =	sbr.rel @!p1 .LBB2_2-.Ltmp0, $4  }
0x32: {  	s31 =	sshll.u32 s17, $0x4;
	_ =	swait.ge [sflag:s7], $0x80  }
0x33: {  	s16 =	sadd.s32 s31, s16;
	[sflag:s7] =	ssyncset.done $0x0  }
0x34: {  	s17 =	simm.s32 $0x380;
	s16 =	sadd.s32 $0x1400, s16;
	[sflag:s7] =	ssyncadd.s32 $0xFFFFFF80  }
0x35: {  	[spmem:s5] =	stream.indirect.scatter.add.f32 [tilespmem:s10], [sflag:$0x1], $0x1, s17, s9, $0xb8;
	[tilespmem:$0x880] =	vst v63  }
.LBB2_1:
0x36: {  	s18 =	sadd.s32 $0xFFFFFFFF, s18;
	_ =	swait.ge [sflag:s7], $0x80  }
0x37: {  	p1 =	sne.s32 s18, $0x0;
	[sflag:s7] =	ssyncset.done $0x0  }
0x38: {  	s19 =	simm.s32 @!p0 $0x20;
	s20 =	simm.s32 @!p0 $0x10;
	[sflag:s7] =	ssyncadd.s32 $0xFFFFFF80  }
0x39: {  	[bflag:$0x0] =	sbarrier.arrive $0xFFFF  }
0x3a: {  	[hbm:s16@s19], [sflag:s3] =	dma.strided @!p0 [spmem:s2@s20], $0x800, s1, $0x10   }
0x3b: {  	_ =	swait.ge @!p0 [sflag:s1], $0x800  }
0x3c: {  	[sflag:s1] =	ssyncset.done @!p0 $0x0  }
0x3d: {  	[sflag:s1] =	ssyncadd.s32 @!p0 $0xFFFFF800  }
0x3e: {  	[spmem:s2], [sflag:s3] =	dma.local @!p0 [hbm:s4], $0x800  }
0x3f: {  	_ =	swait.ge @!p0 [sflag:s1], $0x800  }
0x40: {  	[sflag:s1] =	ssyncset.done @!p0 $0x0  }
0x41: {  	[sflag:s1] =	ssyncadd.s32 @!p0 $0xFFFFF800  }
0x42: {  	[tilespmem:$0x470] =	vst v0  }
0x43: {  	[tilespmem:$0x460] =	vst v0  }
0x44: {  	[tilespmem:$0x450] =	vst v0  }
0x45: {  	[tilespmem:$0x440] =	vst v0  }
0x46: {  	[tilespmem:$0x430] =	vst v0  }
0x47: {  	[tilespmem:$0x420] =	vst v0  }
0x48: {  	[tilespmem:$0x400] =	vst v0  }
0x49: {  	[tilespmem:$0x410] =	vst v0  }
0x4a: {  	[tilespmem:s6], [sflag:$0x1] =	stream.linear.gather [hbm4b:s8+s6], $0x400, $0x38;
	[tilespmem:$0x880] =	vst v63  }
0x4b: {  	_ =	swait.ge [sflag:s7], $0x400  }
0x4c: {  	[sflag:s7] =	ssyncset.done $0x0  }
0x4d: {  	[sflag:s7] =	ssyncadd.s32 $0xFFFFFC00  }
0x4e: {  	[bflag:$0x0] =	sbarrier.arrive $0xFFFF  }
0x4f: {  	[spmem:s5] =	stream.indirect.scatter.add.f32 [tilespmem:s10], [sflag:$0x1], $0x1, s6, s9, $0xb8;
	[tilespmem:$0x880] =	vst v63  }
0x50: {  	_ =	swait.ge [sflag:s7], $0x80  }
0x51: {  	[sflag:s7] =	ssyncset.done $0x0  }
0x52: {  	[sflag:s7] =	ssyncadd.s32 $0xFFFFFF80  }
0x53: {  	[spmem:s5] =	stream.indirect.scatter.add.f32 [tilespmem:s10], [sflag:$0x1], $0x1, s9, s9, $0xb8;
	[tilespmem:$0x880] =	vst v63  }
0x54: {  	_ =	swait.ge [sflag:s7], $0x80  }
0x55: {  	[sflag:s7] =	ssyncset.done $0x0  }
0x56: {  	[sflag:s7] =	ssyncadd.s32 $0xFFFFFF80  }
0x57: {  	[spmem:s5] =	stream.indirect.scatter.add.f32 [tilespmem:s10], [sflag:$0x1], $0x1, s11, s9, $0xb8;
	[tilespmem:$0x880] =	vst v63  }
0x58: {  	_ =	swait.ge [sflag:s7], $0x80  }
0x59: {  	[sflag:s7] =	ssyncset.done $0x0  }
0x5a: {  	[sflag:s7] =	ssyncadd.s32 $0xFFFFFF80  }
0x5b: {  	[spmem:s5] =	stream.indirect.scatter.add.f32 [tilespmem:s10], [sflag:$0x1], $0x1, s12, s9, $0xb8;
	[tilespmem:$0x880] =	vst v63  }
0x5c: {  	_ =	swait.ge [sflag:s7], $0x80  }
0x5d: {  	[sflag:s7] =	ssyncset.done $0x0  }
0x5e: {  	[sflag:s7] =	ssyncadd.s32 $0xFFFFFF80  }
0x5f: {  	[spmem:s5] =	stream.indirect.scatter.add.f32 [tilespmem:s10], [sflag:$0x1], $0x1, s13, s9, $0xb8;
	[tilespmem:$0x880] =	vst v63  }
0x60: {  	_ =	swait.ge [sflag:s7], $0x80  }
0x61: {  	[sflag:s7] =	ssyncset.done $0x0  }
0x62: {  	[sflag:s7] =	ssyncadd.s32 $0xFFFFFF80  }
0x63: {  	[spmem:s5] =	stream.indirect.scatter.add.f32 [tilespmem:s10], [sflag:$0x1], $0x1, s14, s9, $0xb8;
	[tilespmem:$0x880] =	vst v63  }
0x64: {  	_ =	swait.ge [sflag:s7], $0x80  }
0x65: {  	[sflag:s7] =	ssyncset.done $0x0  }
0x66: {  	[sflag:s7] =	ssyncadd.s32 $0xFFFFFF80  }
0x67: {  	[spmem:s5] =	stream.indirect.scatter.add.f32 [tilespmem:s10], [sflag:$0x1], $0x1, s15, s9, $0xb8;
	[tilespmem:$0x880] =	vst v63  }
.Ltmp1:
0x68: {  	_ = 	snop;
	(pc) =	sbr.rel @p1 .LBB2_1-.Ltmp1, $4  }
0x69: {  	_ =	swait.ge [sflag:s7], $0x80  }
0x6a: {  	[sflag:s7] =	ssyncset.done $0x0  }
0x6b: {  	[sflag:s7] =	ssyncadd.s32 $0xFFFFFF80  }
0x6c: {  	[spmem:s5] =	stream.indirect.scatter.add.f32 [tilespmem:s10], [sflag:$0x1], $0x1, s17, s9, $0xb8;
	[tilespmem:$0x880] =	vst v63  }
.LBB2_2:
0x6d: {  	_ =	swait.ge [sflag:s7], $0x80  }
0x6e: {  	[sflag:s7] =	ssyncset.done $0x0  }
0x6f: {  	[sflag:s7] =	ssyncadd.s32 $0xFFFFFF80  }
0x70: {  	s4 =	simm.s32 @!p0 $0x20;
	s5 =	simm.s32 @!p0 $0x10;
	[bflag:$0x0] =	sbarrier.arrive $0xFFFF  }
0x71: {  	[hbm:s16@s4], [sflag:s3] =	dma.strided @!p0 [spmem:s2@s5], $0x800, s1, $0x10   }
0x72: {  	_ =	swait.ge @!p0 [sflag:s1], $0x800  }
0x73: {  	[sflag:s1] =	ssyncset.done @!p0 $0x0  }
0x74: {  	[sflag:s1] =	ssyncadd.s32 @!p0 $0xFFFFF800  }
0x75: {  	_ =	sfence.sel $0x180000  }
0x76: {  	[bflag:$0x0] =	sbarrier.arrive $0xFFFF  }
0x77: {  	_ =	strace $0x90000047  }
0x78: {  	s0 =	sadd.s32 @!p0 $0x100000, s0;
	[bflag:$0x2] =	sbarrier.arrive $0xFFFF  }
0x79: {  	[sflag:s0] =	ssyncadd.tile.s32 @!p0 $0x1;
	_ =	shalt  }
.Lfunc_end2:
_tile_overlayer_lowered:
.L_overlay_start_2:
0x7a: {  	(tag) =	ssettag $0x2  }
0x7b: {  	s0 =	rddreg [dreg:$0x0];
	s2 =	stileid.u32  }
0x7c: {  	s1 =	rddreg [dreg:$0x1];
	p0 =	sne.s32 s2, $0x0  }
0x7d: {  	s3 =	rddreg [dreg:$0x2];
	[bflag:$0x3] =	sbarrier.arrive $0xFFFF;
	s2 =	simm.s32 @!p0 $0x1C01  }
0x7e: {  	[timem:s3], [sflag:s2] =	dma.local @!p0 [hbm:s0], s1  }
0x7f: {  	s0 =	simm.s32 @!p0 $0x1  }
0x80: {  	_ =	swait.ge @!p0 [sflag:s0], s1  }
0x81: {  	s1 =	ssub.s32 @!p0 $0x0, s1;
	[sflag:s0] =	ssyncset.done @!p0 $0x0  }
0x82: {  	[sflag:s0] =	ssyncadd.s32 @!p0 s1  }
0x83: {  	[bflag:$0x3] =	sbarrier.arrive $0xFFFF  }
0x84: {  	_ =	shalt  }

</sc_bundles>
